<compile_context>
chip_gen: v7x
topology: tpu7x:2x2x1
jax: 0.10.2.dev20260603
libtpu: 0.0.44.dev20260713+nightly
codegen_flags: <defaults>
</compile_context>

<pallas_src>
import functools

import jax
import jax.numpy as jnp
from jax import lax
from jax.experimental import pallas as pl
from jax.experimental.pallas import tpu as pltpu
from jax.experimental.pallas import tpu_sc as plsc

EMBED = 64
NUM_CORES = 2
NUM_SUBCORES = 16
NUM_WORKERS = NUM_CORES * NUM_SUBCORES
CHUNK = 320


PACK_BLK = 6400
PACK_V1 = 524800
PACK_SHIFT = 475200


def _tc_pack_table(table_t):
    tc_mesh = pltpu.create_tensorcore_mesh("t", num_cores=2)

    @functools.partial(
        pl.kernel,
        out_type=jax.ShapeDtypeStruct((PACK_V1, 2 * EMBED), jnp.float32),
        mesh=tc_mesh,
    )
    def kfn(tt_hbm, out_hbm):
        cid = lax.axis_index("t")
        n_blocks = PACK_V1 // PACK_BLK
        half_blocks = n_blocks // 2
        first = cid * half_blocks

        def body(a_vmem, b_vmem, o_vmem):
            o_vmem[:, 0:EMBED] = a_vmem[...].T
            o_vmem[:, EMBED:2 * EMBED] = b_vmem[...].T

        pltpu.emit_pipeline(
            body,
            grid=(half_blocks,),
            in_specs=[
                pl.BlockSpec((EMBED, PACK_BLK), lambda g: (0, first + g)),
                pl.BlockSpec(
                    (EMBED, PACK_BLK),
                    lambda g: (0, first + g + PACK_SHIFT // PACK_BLK)),
            ],
            out_specs=[pl.BlockSpec((PACK_BLK, 2 * EMBED),
                                    lambda g: (first + g, 0))],
        )(tt_hbm, tt_hbm, out_hbm)

    return kfn(table_t)


def _sc_gather(idx_row, packed_table, num_indices):
    per_w = num_indices // NUM_WORKERS
    n_chunks = per_w // CHUNK
    mesh = plsc.VectorSubcoreMesh(core_axis_name="c", subcore_axis_name="s")

    @functools.partial(
        pl.kernel,
        out_type=jax.ShapeDtypeStruct((num_indices, 2 * EMBED), jnp.float32),
        mesh=mesh,
        scratch_types=[
            pltpu.VMEM((per_w,), jnp.int32),
            pltpu.VMEM((CHUNK, 2 * EMBED), jnp.float32),
            pltpu.VMEM((CHUNK, 2 * EMBED), jnp.float32),
            pltpu.SemaphoreType.DMA,
            pltpu.SemaphoreType.DMA,
            pltpu.SemaphoreType.DMA,
            pltpu.SemaphoreType.DMA,
        ],
        compiler_params=pltpu.CompilerParams(use_tc_tiling_on_sc=False),
    )
    def kfn(tab_hbm, idx_hbm, out_hbm, idx_all, r0, r1, sg0, sg1, so0, so1):
        wid = lax.axis_index("s") * NUM_CORES + lax.axis_index("c")
        base = wid * per_w
        rows = (r0, r1)
        sg = (sg0, sg1)
        so = (so0, so1)

        pltpu.sync_copy(idx_hbm.at[pl.ds(base, per_w)], idx_all)

        def gather(j, b):
            return pltpu.make_async_copy(
                tab_hbm.at[idx_all.at[pl.ds(j * CHUNK, CHUNK)]],
                rows[b], sg[b])

        def writeback(j, b):
            return pltpu.make_async_copy(
                rows[b], out_hbm.at[pl.ds(base + j * CHUNK, CHUNK)], so[b])

        gather(0, 0).start()
        for j in range(1, n_chunks):
            b = j % 2
            if j >= 2:
                writeback(j - 2, b).wait()
            gather(j, b).start()
            gather(j - 1, 1 - b).wait()
            writeback(j - 1, 1 - b).start()
        last = n_chunks - 1
        gather(last, last % 2).wait()
        writeback(last, last % 2).start()
        writeback(last - 1, (last - 1) % 2).wait()
        writeback(last, last % 2).wait()

    return kfn(packed_table, idx_row)


def _tc_select_transpose(inter, x_t, batch, seq):
    def body(in_ref, x_ref, o_ref):
        s = pl.program_id(0)
        hi = x_ref[pl.ds(s, 1)][0] >= PACK_V1
        left = in_ref[:, 0:EMBED].T
        right = in_ref[:, EMBED:2 * EMBED].T
        o_ref[0] = jnp.where(hi[None, :], right, left)

    return pl.pallas_call(
        body,
        grid=(seq,),
        in_specs=[
            pl.BlockSpec((batch, 2 * EMBED), lambda s: (s, 0)),
            pl.BlockSpec((seq, batch), lambda s: (0, 0)),
        ],
        out_specs=pl.BlockSpec((1, EMBED, batch), lambda s: (s, 0, 0)),
        out_shape=jax.ShapeDtypeStruct((seq, EMBED, batch), jnp.float32),
        compiler_params=pltpu.CompilerParams(
            dimension_semantics=("parallel",)),
    )(inter, x_t)


def kernel(x, table):
    batch, seq = x.shape
    num_indices = batch * seq
    packed_table = jnp.concatenate(
        [table[0:PACK_V1], table[PACK_SHIFT:PACK_SHIFT + PACK_V1]], axis=1)
    x_t = x.T.astype(jnp.int32)
    flat_t = x_t.reshape(num_indices)
    idx_row = jnp.where(flat_t < PACK_V1, flat_t, flat_t - PACK_SHIFT)
    inter = _sc_gather(idx_row, packed_table, num_indices)
    out = _tc_select_transpose(inter, x_t, batch, seq)
    return out.transpose(2, 0, 1)

# --- scband reference (transcript-rebuilt; emitter-appended) ---
"""Pipeline reference for scband-positional-embedding-87084756894155 (READ-ONLY COPY).

The authoritative reference and input builder live on the scoring server;
editing this copy changes nothing except your own understanding.
"""

import jax, jax.numpy as jnp
import numpy as np

VOCAB = 1000000
EMBED = 64

def setup_inputs(seed: int = 0) -> dict:
    key = jax.random.key(seed)
    k_idx, k_tab = jax.random.split(key)
    x = jax.random.randint(k_idx, (4096, 50), 0, VOCAB, dtype=jnp.int64)
    table = jax.random.normal(k_tab, (VOCAB, EMBED), dtype=jnp.float32) * 0.02
    return {"x": x, "table": table}

def reference(x, table):
    # Embedding lookup: gather rows of the table by token index.
    word_embedding = jnp.take(table, x, axis=0)
    return word_embedding

if __name__ == "__main__":
    import jax
    _d = setup_inputs()
    print(jax.jit(kernel)(*tuple(_d.values())))

</pallas_src>

<mosaic_0001>
#map = affine_map<(d0, d1) -> (0, 0)>
#map1 = affine_map<(d0, d1) -> (0)>
module attributes {stable_mosaic.version = 14 : i64} {
  func.func @kfn(%arg0: i32, %arg1: i32, %arg2: memref<524800x128xf32, #tpu.memory_space<hbm>>, %arg3: memref<204800xi32, #tpu.memory_space<hbm>>, %arg4: memref<204800x128xf32, #tpu.memory_space<hbm>>, %arg5: memref<6400xi32, #tpu.memory_space<vmem>>, %arg6: memref<320x128xf32, #tpu.memory_space<vmem>>, %arg7: memref<320x128xf32, #tpu.memory_space<vmem>>, %arg8: memref<!tpu.dma_semaphore, #tpu.memory_space<semaphore_mem>>, %arg9: memref<!tpu.dma_semaphore, #tpu.memory_space<semaphore_mem>>, %arg10: memref<!tpu.dma_semaphore, #tpu.memory_space<semaphore_mem>>, %arg11: memref<!tpu.dma_semaphore, #tpu.memory_space<semaphore_mem>>) attributes {dimension_semantics = [#tpu.dimension_semantics<core_parallel>, #tpu.dimension_semantics<subcore_parallel>], iteration_bounds = array<i64: 2, 16>, scalar_prefetch = 0 : i64, scratch_operands = 7 : i64, tpu.core_type = #tpu.core_type<sc_vector_subcore>, window_params = [{transform_indices = #map}, {transform_indices = #map1}, {transform_indices = #map}]} {
    %mul3A = arith.constant 2 : i32
    %mul3A_0 = arith.muli %arg1, %mul3A : i32
    %add3A = arith.addi %mul3A_0, %arg0 : i32
    %mul3A_1 = arith.constant 6400 : i32
    %mul3A_2 = arith.muli %add3A, %mul3A_1 : i32
    "tpu.region"() ({
      %run_scoped3A = tpu.sem_alloc : memref<!tpu.dma_semaphore, #tpu.memory_space<semaphore_mem>>
      %dma_start3A_441 = tpu.memref_slice %arg3[%mul3A_2] : memref<204800xi32, #tpu.memory_space<hbm>> -> memref<6400xi32, #tpu.memory_space<hbm>>
      %dma_start3A_442 = tpu.memref_slice %arg3[%mul3A_2] : memref<204800xi32, #tpu.memory_space<hbm>> -> memref<6400xi32, #tpu.memory_space<hbm>>
      tpu.enqueue_dma source(%dma_start3A_442 : memref<6400xi32, #tpu.memory_space<hbm>>) target(%arg5 : memref<6400xi32, #tpu.memory_space<vmem>>) target_semaphore(%run_scoped3A : memref<!tpu.dma_semaphore, #tpu.memory_space<semaphore_mem>>)
      %dma_wait3A_443 = tpu.memref_slice %arg3[%mul3A_2] : memref<204800xi32, #tpu.memory_space<hbm>> -> memref<6400xi32, #tpu.memory_space<hbm>>
      %dma_wait3A_444 = tpu.memref_slice %arg3[%mul3A_2] : memref<204800xi32, #tpu.memory_space<hbm>> -> memref<6400xi32, #tpu.memory_space<hbm>>
      tpu.wait_dma2 semaphore(%run_scoped3A : memref<!tpu.dma_semaphore, #tpu.memory_space<semaphore_mem>>) src(%dma_wait3A_444 : memref<6400xi32, #tpu.memory_space<hbm>>) dst(%arg5 : memref<6400xi32, #tpu.memory_space<vmem>>)
      tpu.yield
    }) : () -> ()
    %dma_start3A = arith.constant 0 : i32
    %dma_start3A_3 = tpu.memref_slice %arg5[%dma_start3A] : memref<6400xi32, #tpu.memory_space<vmem>> -> memref<320xi32, #tpu.memory_space<vmem>>
    %dma_start3A_4 = arith.constant 0 : i32
    %dma_start3A_5 = arith.constant 0 : i32
    %dma_start3A_6 = tpu.memref_slice %arg2[%dma_start3A_4, %dma_start3A_5] : memref<524800x128xf32, #tpu.memory_space<hbm>> -> memref<524800x128xf32, #tpu.memory_space<hbm>>
    tpu.enqueue_indirect_dma source(%dma_start3A_6 : memref<524800x128xf32, #tpu.memory_space<hbm>>) target(%arg6 : memref<320x128xf32, #tpu.memory_space<vmem>>) offsets(%dma_start3A_3 : memref<320xi32, #tpu.memory_space<vmem>>) semaphore(%arg8 : memref<!tpu.dma_semaphore, #tpu.memory_space<semaphore_mem>>)
    %dma_start3A_7 = arith.constant 320 : i32
    %dma_start3A_8 = tpu.memref_slice %arg5[%dma_start3A_7] : memref<6400xi32, #tpu.memory_space<vmem>> -> memref<320xi32, #tpu.memory_space<vmem>>
    %dma_start3A_9 = arith.constant 0 : i32
    %dma_start3A_10 = arith.constant 0 : i32
    %dma_start3A_11 = tpu.memref_slice %arg2[%dma_start3A_9, %dma_start3A_10] : memref<524800x128xf32, #tpu.memory_space<hbm>> -> memref<524800x128xf32, #tpu.memory_space<hbm>>
    tpu.enqueue_indirect_dma source(%dma_start3A_11 : memref<524800x128xf32, #tpu.memory_space<hbm>>) target(%arg7 : memref<320x128xf32, #tpu.memory_space<vmem>>) offsets(%dma_start3A_8 : memref<320xi32, #tpu.memory_space<vmem>>) semaphore(%arg9 : memref<!tpu.dma_semaphore, #tpu.memory_space<semaphore_mem>>)
    %dma_wait3A = arith.constant 0 : i32
    %dma_wait3A_12 = tpu.memref_slice %arg5[%dma_wait3A] : memref<6400xi32, #tpu.memory_space<vmem>> -> memref<320xi32, #tpu.memory_space<vmem>>
    %dma_wait3A_13 = arith.constant 0 : i32
    %dma_wait3A_14 = arith.constant 0 : i32
    %dma_wait3A_15 = tpu.memref_slice %arg2[%dma_wait3A_13, %dma_wait3A_14] : memref<524800x128xf32, #tpu.memory_space<hbm>> -> memref<524800x128xf32, #tpu.memory_space<hbm>>
    tpu.wait_indirect_dma semaphore(%arg8 : memref<!tpu.dma_semaphore, #tpu.memory_space<semaphore_mem>>) src(%dma_wait3A_15 : memref<524800x128xf32, #tpu.memory_space<hbm>>) dst(%arg6 : memref<320x128xf32, #tpu.memory_space<vmem>>)
    %add3A_16 = arith.constant 0 : i32
    %add3A_17 = arith.addi %mul3A_2, %add3A_16 : i32
    %dma_start3A_18 = arith.constant 0 : i32
    %dma_start3A_19 = tpu.memref_slice %arg4[%add3A_17, %dma_start3A_18] : memref<204800x128xf32, #tpu.memory_space<hbm>> -> memref<320x128xf32, #tpu.memory_space<hbm>>
    %dma_start3A_20 = arith.constant 0 : i32
    %dma_start3A_21 = tpu.memref_slice %arg4[%add3A_17, %dma_start3A_20] : memref<204800x128xf32, #tpu.memory_space<hbm>> -> memref<320x128xf32, #tpu.memory_space<hbm>>
    tpu.enqueue_dma source(%arg6 : memref<320x128xf32, #tpu.memory_space<vmem>>) target(%dma_start3A_21 : memref<320x128xf32, #tpu.memory_space<hbm>>) target_semaphore(%arg10 : memref<!tpu.dma_semaphore, #tpu.memory_space<semaphore_mem>>)
    %add3A_22 = arith.constant 0 : i32
    %add3A_23 = arith.addi %mul3A_2, %add3A_22 : i32
    %dma_wait3A_24 = arith.constant 0 : i32
    %dma_wait3A_25 = tpu.memref_slice %arg4[%add3A_23, %dma_wait3A_24] : memref<204800x128xf32, #tpu.memory_space<hbm>> -> memref<320x128xf32, #tpu.memory_space<hbm>>
    %dma_wait3A_26 = arith.constant 0 : i32
    %dma_wait3A_27 = tpu.memref_slice %arg4[%add3A_23, %dma_wait3A_26] : memref<204800x128xf32, #tpu.memory_space<hbm>> -> memref<320x128xf32, #tpu.memory_space<hbm>>
    tpu.wait_dma2 semaphore(%arg10 : memref<!tpu.dma_semaphore, #tpu.memory_space<semaphore_mem>>) src(%arg6 : memref<320x128xf32, #tpu.memory_space<vmem>>) dst(%dma_wait3A_27 : memref<320x128xf32, #tpu.memory_space<hbm>>)
    %dma_start3A_28 = arith.constant 640 : i32
    %dma_start3A_29 = tpu.memref_slice %arg5[%dma_start3A_28] : memref<6400xi32, #tpu.memory_space<vmem>> -> memref<320xi32, #tpu.memory_space<vmem>>
    %dma_start3A_30 = arith.constant 0 : i32
    %dma_start3A_31 = arith.constant 0 : i32
    %dma_start3A_32 = tpu.memref_slice %arg2[%dma_start3A_30, %dma_start3A_31] : memref<524800x128xf32, #tpu.memory_space<hbm>> -> memref<524800x128xf32, #tpu.memory_space<hbm>>
    tpu.enqueue_indirect_dma source(%dma_start3A_32 : memref<524800x128xf32, #tpu.memory_space<hbm>>) target(%arg6 : memref<320x128xf32, #tpu.memory_space<vmem>>) offsets(%dma_start3A_29 : memref<320xi32, #tpu.memory_space<vmem>>) semaphore(%arg8 : memref<!tpu.dma_semaphore, #tpu.memory_space<semaphore_mem>>)
    %dma_wait3A_33 = arith.constant 320 : i32
    %dma_wait3A_34 = tpu.memref_slice %arg5[%dma_wait3A_33] : memref<6400xi32, #tpu.memory_space<vmem>> -> memref<320xi32, #tpu.memory_space<vmem>>
    %dma_wait3A_35 = arith.constant 0 : i32
    %dma_wait3A_36 = arith.constant 0 : i32
    %dma_wait3A_37 = tpu.memref_slice %arg2[%dma_wait3A_35, %dma_wait3A_36] : memref<524800x128xf32, #tpu.memory_space<hbm>> -> memref<524800x128xf32, #tpu.memory_space<hbm>>
    tpu.wait_indirect_dma semaphore(%arg9 : memref<!tpu.dma_semaphore, #tpu.memory_space<semaphore_mem>>) src(%dma_wait3A_37 : memref<524800x128xf32, #tpu.memory_space<hbm>>) dst(%arg7 : memref<320x128xf32, #tpu.memory_space<vmem>>)
    %add3A_38 = arith.constant 320 : i32
    %add3A_39 = arith.addi %mul3A_2, %add3A_38 : i32
    %dma_start3A_40 = arith.constant 0 : i32
    %dma_start3A_41 = tpu.memref_slice %arg4[%add3A_39, %dma_start3A_40] : memref<204800x128xf32, #tpu.memory_space<hbm>> -> memref<320x128xf32, #tpu.memory_space<hbm>>
    %dma_start3A_42 = arith.constant 0 : i32
    %dma_start3A_43 = tpu.memref_slice %arg4[%add3A_39, %dma_start3A_42] : memref<204800x128xf32, #tpu.memory_space<hbm>> -> memref<320x128xf32, #tpu.memory_space<hbm>>
    tpu.enqueue_dma source(%arg7 : memref<320x128xf32, #tpu.memory_space<vmem>>) target(%dma_start3A_43 : memref<320x128xf32, #tpu.memory_space<hbm>>) target_semaphore(%arg11 : memref<!tpu.dma_semaphore, #tpu.memory_space<semaphore_mem>>)
    %add3A_44 = arith.constant 320 : i32
    %add3A_45 = arith.addi %mul3A_2, %add3A_44 : i32
    %dma_wait3A_46 = arith.constant 0 : i32
    %dma_wait3A_47 = tpu.memref_slice %arg4[%add3A_45, %dma_wait3A_46] : memref<204800x128xf32, #tpu.memory_space<hbm>> -> memref<320x128xf32, #tpu.memory_space<hbm>>
    %dma_wait3A_48 = arith.constant 0 : i32
    %dma_wait3A_49 = tpu.memref_slice %arg4[%add3A_45, %dma_wait3A_48] : memref<204800x128xf32, #tpu.memory_space<hbm>> -> memref<320x128xf32, #tpu.memory_space<hbm>>
    tpu.wait_dma2 semaphore(%arg11 : memref<!tpu.dma_semaphore, #tpu.memory_space<semaphore_mem>>) src(%arg7 : memref<320x128xf32, #tpu.memory_space<vmem>>) dst(%dma_wait3A_49 : memref<320x128xf32, #tpu.memory_space<hbm>>)
    %dma_start3A_50 = arith.constant 960 : i32
    %dma_start3A_51 = tpu.memref_slice %arg5[%dma_start3A_50] : memref<6400xi32, #tpu.memory_space<vmem>> -> memref<320xi32, #tpu.memory_space<vmem>>
    %dma_start3A_52 = arith.constant 0 : i32
    %dma_start3A_53 = arith.constant 0 : i32
    %dma_start3A_54 = tpu.memref_slice %arg2[%dma_start3A_52, %dma_start3A_53] : memref<524800x128xf32, #tpu.memory_space<hbm>> -> memref<524800x128xf32, #tpu.memory_space<hbm>>
    tpu.enqueue_indirect_dma source(%dma_start3A_54 : memref<524800x128xf32, #tpu.memory_space<hbm>>) target(%arg7 : memref<320x128xf32, #tpu.memory_space<vmem>>) offsets(%dma_start3A_51 : memref<320xi32, #tpu.memory_space<vmem>>) semaphore(%arg9 : memref<!tpu.dma_semaphore, #tpu.memory_space<semaphore_mem>>)
    %dma_wait3A_55 = arith.constant 640 : i32
    %dma_wait3A_56 = tpu.memref_slice %arg5[%dma_wait3A_55] : memref<6400xi32, #tpu.memory_space<vmem>> -> memref<320xi32, #tpu.memory_space<vmem>>
    %dma_wait3A_57 = arith.constant 0 : i32
    %dma_wait3A_58 = arith.constant 0 : i32
    %dma_wait3A_59 = tpu.memref_slice %arg2[%dma_wait3A_57, %dma_wait3A_58] : memref<524800x128xf32, #tpu.memory_space<hbm>> -> memref<524800x128xf32, #tpu.memory_space<hbm>>
    tpu.wait_indirect_dma semaphore(%arg8 : memref<!tpu.dma_semaphore, #tpu.memory_space<semaphore_mem>>) src(%dma_wait3A_59 : memref<524800x128xf32, #tpu.memory_space<hbm>>) dst(%arg6 : memref<320x128xf32, #tpu.memory_space<vmem>>)
    %add3A_60 = arith.constant 640 : i32
    %add3A_61 = arith.addi %mul3A_2, %add3A_60 : i32
    %dma_start3A_62 = arith.constant 0 : i32
    %dma_start3A_63 = tpu.memref_slice %arg4[%add3A_61, %dma_start3A_62] : memref<204800x128xf32, #tpu.memory_space<hbm>> -> memref<320x128xf32, #tpu.memory_space<hbm>>
    %dma_start3A_64 = arith.constant 0 : i32
    %dma_start3A_65 = tpu.memref_slice %arg4[%add3A_61, %dma_start3A_64] : memref<204800x128xf32, #tpu.memory_space<hbm>> -> memref<320x128xf32, #tpu.memory_space<hbm>>
    tpu.enqueue_dma source(%arg6 : memref<320x128xf32, #tpu.memory_space<vmem>>) target(%dma_start3A_65 : memref<320x128xf32, #tpu.memory_space<hbm>>) target_semaphore(%arg10 : memref<!tpu.dma_semaphore, #tpu.memory_space<semaphore_mem>>)
    %add3A_66 = arith.constant 640 : i32
    %add3A_67 = arith.addi %mul3A_2, %add3A_66 : i32
    %dma_wait3A_68 = arith.constant 0 : i32
    %dma_wait3A_69 = tpu.memref_slice %arg4[%add3A_67, %dma_wait3A_68] : memref<204800x128xf32, #tpu.memory_space<hbm>> -> memref<320x128xf32, #tpu.memory_space<hbm>>
    %dma_wait3A_70 = arith.constant 0 : i32
    %dma_wait3A_71 = tpu.memref_slice %arg4[%add3A_67, %dma_wait3A_70] : memref<204800x128xf32, #tpu.memory_space<hbm>> -> memref<320x128xf32, #tpu.memory_space<hbm>>
    tpu.wait_dma2 semaphore(%arg10 : memref<!tpu.dma_semaphore, #tpu.memory_space<semaphore_mem>>) src(%arg6 : memref<320x128xf32, #tpu.memory_space<vmem>>) dst(%dma_wait3A_71 : memref<320x128xf32, #tpu.memory_space<hbm>>)
    %dma_start3A_72 = arith.constant 1280 : i32
    %dma_start3A_73 = tpu.memref_slice %arg5[%dma_start3A_72] : memref<6400xi32, #tpu.memory_space<vmem>> -> memref<320xi32, #tpu.memory_space<vmem>>
    %dma_start3A_74 = arith.constant 0 : i32
    %dma_start3A_75 = arith.constant 0 : i32
    %dma_start3A_76 = tpu.memref_slice %arg2[%dma_start3A_74, %dma_start3A_75] : memref<524800x128xf32, #tpu.memory_space<hbm>> -> memref<524800x128xf32, #tpu.memory_space<hbm>>
    tpu.enqueue_indirect_dma source(%dma_start3A_76 : memref<524800x128xf32, #tpu.memory_space<hbm>>) target(%arg6 : memref<320x128xf32, #tpu.memory_space<vmem>>) offsets(%dma_start3A_73 : memref<320xi32, #tpu.memory_space<vmem>>) semaphore(%arg8 : memref<!tpu.dma_semaphore, #tpu.memory_space<semaphore_mem>>)
    %dma_wait3A_77 = arith.constant 960 : i32
    %dma_wait3A_78 = tpu.memref_slice %arg5[%dma_wait3A_77] : memref<6400xi32, #tpu.memory_space<vmem>> -> memref<320xi32, #tpu.memory_space<vmem>>
    %dma_wait3A_79 = arith.constant 0 : i32
    %dma_wait3A_80 = arith.constant 0 : i32
    %dma_wait3A_81 = tpu.memref_slice %arg2[%dma_wait3A_79, %dma_wait3A_80] : memref<524800x128xf32, #tpu.memory_space<hbm>> -> memref<524800x128xf32, #tpu.memory_space<hbm>>
    tpu.wait_indirect_dma semaphore(%arg9 : memref<!tpu.dma_semaphore, #tpu.memory_space<semaphore_mem>>) src(%dma_wait3A_81 : memref<524800x128xf32, #tpu.memory_space<hbm>>) dst(%arg7 : memref<320x128xf32, #tpu.memory_space<vmem>>)
    %add3A_82 = arith.constant 960 : i32
    %add3A_83 = arith.addi %mul3A_2, %add3A_82 : i32
    %dma_start3A_84 = arith.constant 0 : i32
    %dma_start3A_85 = tpu.memref_slice %arg4[%add3A_83, %dma_start3A_84] : memref<204800x128xf32, #tpu.memory_space<hbm>> -> memref<320x128xf32, #tpu.memory_space<hbm>>
    %dma_start3A_86 = arith.constant 0 : i32
    %dma_start3A_87 = tpu.memref_slice %arg4[%add3A_83, %dma_start3A_86] : memref<204800x128xf32, #tpu.memory_space<hbm>> -> memref<320x128xf32, #tpu.memory_space<hbm>>
    tpu.enqueue_dma source(%arg7 : memref<320x128xf32, #tpu.memory_space<vmem>>) target(%dma_start3A_87 : memref<320x128xf32, #tpu.memory_space<hbm>>) target_semaphore(%arg11 : memref<!tpu.dma_semaphore, #tpu.memory_space<semaphore_mem>>)
    %add3A_88 = arith.constant 960 : i32
    %add3A_89 = arith.addi %mul3A_2, %add3A_88 : i32
    %dma_wait3A_90 = arith.constant 0 : i32
    %dma_wait3A_91 = tpu.memref_slice %arg4[%add3A_89, %dma_wait3A_90] : memref<204800x128xf32, #tpu.memory_space<hbm>> -> memref<320x128xf32, #tpu.memory_space<hbm>>
    %dma_wait3A_92 = arith.constant 0 : i32
    %dma_wait3A_93 = tpu.memref_slice %arg4[%add3A_89, %dma_wait3A_92] : memref<204800x128xf32, #tpu.memory_space<hbm>> -> memref<320x128xf32, #tpu.memory_space<hbm>>
    tpu.wait_dma2 semaphore(%arg11 : memref<!tpu.dma_semaphore, #tpu.memory_space<semaphore_mem>>) src(%arg7 : memref<320x128xf32, #tpu.memory_space<vmem>>) dst(%dma_wait3A_93 : memref<320x128xf32, #tpu.memory_space<hbm>>)
    %dma_start3A_94 = arith.constant 1600 : i32
    %dma_start3A_95 = tpu.memref_slice %arg5[%dma_start3A_94] : memref<6400xi32, #tpu.memory_space<vmem>> -> memref<320xi32, #tpu.memory_space<vmem>>
    %dma_start3A_96 = arith.constant 0 : i32
    %dma_start3A_97 = arith.constant 0 : i32
    %dma_start3A_98 = tpu.memref_slice %arg2[%dma_start3A_96, %dma_start3A_97] : memref<524800x128xf32, #tpu.memory_space<hbm>> -> memref<524800x128xf32, #tpu.memory_space<hbm>>
    tpu.enqueue_indirect_dma source(%dma_start3A_98 : memref<524800x128xf32, #tpu.memory_space<hbm>>) target(%arg7 : memref<320x128xf32, #tpu.memory_space<vmem>>) offsets(%dma_start3A_95 : memref<320xi32, #tpu.memory_space<vmem>>) semaphore(%arg9 : memref<!tpu.dma_semaphore, #tpu.memory_space<semaphore_mem>>)
    %dma_wait3A_99 = arith.constant 1280 : i32
    %dma_wait3A_100 = tpu.memref_slice %arg5[%dma_wait3A_99] : memref<6400xi32, #tpu.memory_space<vmem>> -> memref<320xi32, #tpu.memory_space<vmem>>
    %dma_wait3A_101 = arith.constant 0 : i32
    %dma_wait3A_102 = arith.constant 0 : i32
    %dma_wait3A_103 = tpu.memref_slice %arg2[%dma_wait3A_101, %dma_wait3A_102] : memref<524800x128xf32, #tpu.memory_space<hbm>> -> memref<524800x128xf32, #tpu.memory_space<hbm>>
    tpu.wait_indirect_dma semaphore(%arg8 : memref<!tpu.dma_semaphore, #tpu.memory_space<semaphore_mem>>) src(%dma_wait3A_103 : memref<524800x128xf32, #tpu.memory_space<hbm>>) dst(%arg6 : memref<320x128xf32, #tpu.memory_space<vmem>>)
    %add3A_104 = arith.constant 1280 : i32
    %add3A_105 = arith.addi %mul3A_2, %add3A_104 : i32
    %dma_start3A_106 = arith.constant 0 : i32
    %dma_start3A_107 = tpu.memref_slice %arg4[%add3A_105, %dma_start3A_106] : memref<204800x128xf32, #tpu.memory_space<hbm>> -> memref<320x128xf32, #tpu.memory_space<hbm>>
    %dma_start3A_108 = arith.constant 0 : i32
    %dma_start3A_109 = tpu.memref_slice %arg4[%add3A_105, %dma_start3A_108] : memref<204800x128xf32, #tpu.memory_space<hbm>> -> memref<320x128xf32, #tpu.memory_space<hbm>>
    tpu.enqueue_dma source(%arg6 : memref<320x128xf32, #tpu.memory_space<vmem>>) target(%dma_start3A_109 : memref<320x128xf32, #tpu.memory_space<hbm>>) target_semaphore(%arg10 : memref<!tpu.dma_semaphore, #tpu.memory_space<semaphore_mem>>)
    %add3A_110 = arith.constant 1280 : i32
    %add3A_111 = arith.addi %mul3A_2, %add3A_110 : i32
    %dma_wait3A_112 = arith.constant 0 : i32
    %dma_wait3A_113 = tpu.memref_slice %arg4[%add3A_111, %dma_wait3A_112] : memref<204800x128xf32, #tpu.memory_space<hbm>> -> memref<320x128xf32, #tpu.memory_space<hbm>>
    %dma_wait3A_114 = arith.constant 0 : i32
    %dma_wait3A_115 = tpu.memref_slice %arg4[%add3A_111, %dma_wait3A_114] : memref<204800x128xf32, #tpu.memory_space<hbm>> -> memref<320x128xf32, #tpu.memory_space<hbm>>
    tpu.wait_dma2 semaphore(%arg10 : memref<!tpu.dma_semaphore, #tpu.memory_space<semaphore_mem>>) src(%arg6 : memref<320x128xf32, #tpu.memory_space<vmem>>) dst(%dma_wait3A_115 : memref<320x128xf32, #tpu.memory_space<hbm>>)
    %dma_start3A_116 = arith.constant 1920 : i32
    %dma_start3A_117 = tpu.memref_slice %arg5[%dma_start3A_116] : memref<6400xi32, #tpu.memory_space<vmem>> -> memref<320xi32, #tpu.memory_space<vmem>>
    %dma_start3A_118 = arith.constant 0 : i32
    %dma_start3A_119 = arith.constant 0 : i32
    %dma_start3A_120 = tpu.memref_slice %arg2[%dma_start3A_118, %dma_start3A_119] : memref<524800x128xf32, #tpu.memory_space<hbm>> -> memref<524800x128xf32, #tpu.memory_space<hbm>>
    tpu.enqueue_indirect_dma source(%dma_start3A_120 : memref<524800x128xf32, #tpu.memory_space<hbm>>) target(%arg6 : memref<320x128xf32, #tpu.memory_space<vmem>>) offsets(%dma_start3A_117 : memref<320xi32, #tpu.memory_space<vmem>>) semaphore(%arg8 : memref<!tpu.dma_semaphore, #tpu.memory_space<semaphore_mem>>)
    %dma_wait3A_121 = arith.constant 1600 : i32
    %dma_wait3A_122 = tpu.memref_slice %arg5[%dma_wait3A_121] : memref<6400xi32, #tpu.memory_space<vmem>> -> memref<320xi32, #tpu.memory_space<vmem>>
    %dma_wait3A_123 = arith.constant 0 : i32
    %dma_wait3A_124 = arith.constant 0 : i32
    %dma_wait3A_125 = tpu.memref_slice %arg2[%dma_wait3A_123, %dma_wait3A_124] : memref<524800x128xf32, #tpu.memory_space<hbm>> -> memref<524800x128xf32, #tpu.memory_space<hbm>>
    tpu.wait_indirect_dma semaphore(%arg9 : memref<!tpu.dma_semaphore, #tpu.memory_space<semaphore_mem>>) src(%dma_wait3A_125 : memref<524800x128xf32, #tpu.memory_space<hbm>>) dst(%arg7 : memref<320x128xf32, #tpu.memory_space<vmem>>)
    %add3A_126 = arith.constant 1600 : i32
    %add3A_127 = arith.addi %mul3A_2, %add3A_126 : i32
    %dma_start3A_128 = arith.constant 0 : i32
    %dma_start3A_129 = tpu.memref_slice %arg4[%add3A_127, %dma_start3A_128] : memref<204800x128xf32, #tpu.memory_space<hbm>> -> memref<320x128xf32, #tpu.memory_space<hbm>>
    %dma_start3A_130 = arith.constant 0 : i32
    %dma_start3A_131 = tpu.memref_slice %arg4[%add3A_127, %dma_start3A_130] : memref<204800x128xf32, #tpu.memory_space<hbm>> -> memref<320x128xf32, #tpu.memory_space<hbm>>
    tpu.enqueue_dma source(%arg7 : memref<320x128xf32, #tpu.memory_space<vmem>>) target(%dma_start3A_131 : memref<320x128xf32, #tpu.memory_space<hbm>>) target_semaphore(%arg11 : memref<!tpu.dma_semaphore, #tpu.memory_space<semaphore_mem>>)
    %add3A_132 = arith.constant 1600 : i32
    %add3A_133 = arith.addi %mul3A_2, %add3A_132 : i32
    %dma_wait3A_134 = arith.constant 0 : i32
    %dma_wait3A_135 = tpu.memref_slice %arg4[%add3A_133, %dma_wait3A_134] : memref<204800x128xf32, #tpu.memory_space<hbm>> -> memref<320x128xf32, #tpu.memory_space<hbm>>
    %dma_wait3A_136 = arith.constant 0 : i32
    %dma_wait3A_137 = tpu.memref_slice %arg4[%add3A_133, %dma_wait3A_136] : memref<204800x128xf32, #tpu.memory_space<hbm>> -> memref<320x128xf32, #tpu.memory_space<hbm>>
    tpu.wait_dma2 semaphore(%arg11 : memref<!tpu.dma_semaphore, #tpu.memory_space<semaphore_mem>>) src(%arg7 : memref<320x128xf32, #tpu.memory_space<vmem>>) dst(%dma_wait3A_137 : memref<320x128xf32, #tpu.memory_space<hbm>>)
    %dma_start3A_138 = arith.constant 2240 : i32
    %dma_start3A_139 = tpu.memref_slice %arg5[%dma_start3A_138] : memref<6400xi32, #tpu.memory_space<vmem>> -> memref<320xi32, #tpu.memory_space<vmem>>
    %dma_start3A_140 = arith.constant 0 : i32
    %dma_start3A_141 = arith.constant 0 : i32
    %dma_start3A_142 = tpu.memref_slice %arg2[%dma_start3A_140, %dma_start3A_141] : memref<524800x128xf32, #tpu.memory_space<hbm>> -> memref<524800x128xf32, #tpu.memory_space<hbm>>
    tpu.enqueue_indirect_dma source(%dma_start3A_142 : memref<524800x128xf32, #tpu.memory_space<hbm>>) target(%arg7 : memref<320x128xf32, #tpu.memory_space<vmem>>) offsets(%dma_start3A_139 : memref<320xi32, #tpu.memory_space<vmem>>) semaphore(%arg9 : memref<!tpu.dma_semaphore, #tpu.memory_space<semaphore_mem>>)
    %dma_wait3A_143 = arith.constant 1920 : i32
    %dma_wait3A_144 = tpu.memref_slice %arg5[%dma_wait3A_143] : memref<6400xi32, #tpu.memory_space<vmem>> -> memref<320xi32, #tpu.memory_space<vmem>>
    %dma_wait3A_145 = arith.constant 0 : i32
    %dma_wait3A_146 = arith.constant 0 : i32
    %dma_wait3A_147 = tpu.memref_slice %arg2[%dma_wait3A_145, %dma_wait3A_146] : memref<524800x128xf32, #tpu.memory_space<hbm>> -> memref<524800x128xf32, #tpu.memory_space<hbm>>
    tpu.wait_indirect_dma semaphore(%arg8 : memref<!tpu.dma_semaphore, #tpu.memory_space<semaphore_mem>>) src(%dma_wait3A_147 : memref<524800x128xf32, #tpu.memory_space<hbm>>) dst(%arg6 : memref<320x128xf32, #tpu.memory_space<vmem>>)
    %add3A_148 = arith.constant 1920 : i32
    %add3A_149 = arith.addi %mul3A_2, %add3A_148 : i32
    %dma_start3A_150 = arith.constant 0 : i32
    %dma_start3A_151 = tpu.memref_slice %arg4[%add3A_149, %dma_start3A_150] : memref<204800x128xf32, #tpu.memory_space<hbm>> -> memref<320x128xf32, #tpu.memory_space<hbm>>
    %dma_start3A_152 = arith.constant 0 : i32
    %dma_start3A_153 = tpu.memref_slice %arg4[%add3A_149, %dma_start3A_152] : memref<204800x128xf32, #tpu.memory_space<hbm>> -> memref<320x128xf32, #tpu.memory_space<hbm>>
    tpu.enqueue_dma source(%arg6 : memref<320x128xf32, #tpu.memory_space<vmem>>) target(%dma_start3A_153 : memref<320x128xf32, #tpu.memory_space<hbm>>) target_semaphore(%arg10 : memref<!tpu.dma_semaphore, #tpu.memory_space<semaphore_mem>>)
    %add3A_154 = arith.constant 1920 : i32
    %add3A_155 = arith.addi %mul3A_2, %add3A_154 : i32
    %dma_wait3A_156 = arith.constant 0 : i32
    %dma_wait3A_157 = tpu.memref_slice %arg4[%add3A_155, %dma_wait3A_156] : memref<204800x128xf32, #tpu.memory_space<hbm>> -> memref<320x128xf32, #tpu.memory_space<hbm>>
    %dma_wait3A_158 = arith.constant 0 : i32
    %dma_wait3A_159 = tpu.memref_slice %arg4[%add3A_155, %dma_wait3A_158] : memref<204800x128xf32, #tpu.memory_space<hbm>> -> memref<320x128xf32, #tpu.memory_space<hbm>>
    tpu.wait_dma2 semaphore(%arg10 : memref<!tpu.dma_semaphore, #tpu.memory_space<semaphore_mem>>) src(%arg6 : memref<320x128xf32, #tpu.memory_space<vmem>>) dst(%dma_wait3A_159 : memref<320x128xf32, #tpu.memory_space<hbm>>)
    %dma_start3A_160 = arith.constant 2560 : i32
    %dma_start3A_161 = tpu.memref_slice %arg5[%dma_start3A_160] : memref<6400xi32, #tpu.memory_space<vmem>> -> memref<320xi32, #tpu.memory_space<vmem>>
    %dma_start3A_162 = arith.constant 0 : i32
    %dma_start3A_163 = arith.constant 0 : i32
    %dma_start3A_164 = tpu.memref_slice %arg2[%dma_start3A_162, %dma_start3A_163] : memref<524800x128xf32, #tpu.memory_space<hbm>> -> memref<524800x128xf32, #tpu.memory_space<hbm>>
    tpu.enqueue_indirect_dma source(%dma_start3A_164 : memref<524800x128xf32, #tpu.memory_space<hbm>>) target(%arg6 : memref<320x128xf32, #tpu.memory_space<vmem>>) offsets(%dma_start3A_161 : memref<320xi32, #tpu.memory_space<vmem>>) semaphore(%arg8 : memref<!tpu.dma_semaphore, #tpu.memory_space<semaphore_mem>>)
    %dma_wait3A_165 = arith.constant 2240 : i32
    %dma_wait3A_166 = tpu.memref_slice %arg5[%dma_wait3A_165] : memref<6400xi32, #tpu.memory_space<vmem>> -> memref<320xi32, #tpu.memory_space<vmem>>
    %dma_wait3A_167 = arith.constant 0 : i32
    %dma_wait3A_168 = arith.constant 0 : i32
    %dma_wait3A_169 = tpu.memref_slice %arg2[%dma_wait3A_167, %dma_wait3A_168] : memref<524800x128xf32, #tpu.memory_space<hbm>> -> memref<524800x128xf32, #tpu.memory_space<hbm>>
    tpu.wait_indirect_dma semaphore(%arg9 : memref<!tpu.dma_semaphore, #tpu.memory_space<semaphore_mem>>) src(%dma_wait3A_169 : memref<524800x128xf32, #tpu.memory_space<hbm>>) dst(%arg7 : memref<320x128xf32, #tpu.memory_space<vmem>>)
    %add3A_170 = arith.constant 2240 : i32
    %add3A_171 = arith.addi %mul3A_2, %add3A_170 : i32
    %dma_start3A_172 = arith.constant 0 : i32
    %dma_start3A_173 = tpu.memref_slice %arg4[%add3A_171, %dma_start3A_172] : memref<204800x128xf32, #tpu.memory_space<hbm>> -> memref<320x128xf32, #tpu.memory_space<hbm>>
    %dma_start3A_174 = arith.constant 0 : i32
    %dma_start3A_175 = tpu.memref_slice %arg4[%add3A_171, %dma_start3A_174] : memref<204800x128xf32, #tpu.memory_space<hbm>> -> memref<320x128xf32, #tpu.memory_space<hbm>>
    tpu.enqueue_dma source(%arg7 : memref<320x128xf32, #tpu.memory_space<vmem>>) target(%dma_start3A_175 : memref<320x128xf32, #tpu.memory_space<hbm>>) target_semaphore(%arg11 : memref<!tpu.dma_semaphore, #tpu.memory_space<semaphore_mem>>)
    %add3A_176 = arith.constant 2240 : i32
    %add3A_177 = arith.addi %mul3A_2, %add3A_176 : i32
    %dma_wait3A_178 = arith.constant 0 : i32
    %dma_wait3A_179 = tpu.memref_slice %arg4[%add3A_177, %dma_wait3A_178] : memref<204800x128xf32, #tpu.memory_space<hbm>> -> memref<320x128xf32, #tpu.memory_space<hbm>>
    %dma_wait3A_180 = arith.constant 0 : i32
    %dma_wait3A_181 = tpu.memref_slice %arg4[%add3A_177, %dma_wait3A_180] : memref<204800x128xf32, #tpu.memory_space<hbm>> -> memref<320x128xf32, #tpu.memory_space<hbm>>
    tpu.wait_dma2 semaphore(%arg11 : memref<!tpu.dma_semaphore, #tpu.memory_space<semaphore_mem>>) src(%arg7 : memref<320x128xf32, #tpu.memory_space<vmem>>) dst(%dma_wait3A_181 : memref<320x128xf32, #tpu.memory_space<hbm>>)
    %dma_start3A_182 = arith.constant 2880 : i32
    %dma_start3A_183 = tpu.memref_slice %arg5[%dma_start3A_182] : memref<6400xi32, #tpu.memory_space<vmem>> -> memref<320xi32, #tpu.memory_space<vmem>>
    %dma_start3A_184 = arith.constant 0 : i32
    %dma_start3A_185 = arith.constant 0 : i32
    %dma_start3A_186 = tpu.memref_slice %arg2[%dma_start3A_184, %dma_start3A_185] : memref<524800x128xf32, #tpu.memory_space<hbm>> -> memref<524800x128xf32, #tpu.memory_space<hbm>>
    tpu.enqueue_indirect_dma source(%dma_start3A_186 : memref<524800x128xf32, #tpu.memory_space<hbm>>) target(%arg7 : memref<320x128xf32, #tpu.memory_space<vmem>>) offsets(%dma_start3A_183 : memref<320xi32, #tpu.memory_space<vmem>>) semaphore(%arg9 : memref<!tpu.dma_semaphore, #tpu.memory_space<semaphore_mem>>)
    %dma_wait3A_187 = arith.constant 2560 : i32
    %dma_wait3A_188 = tpu.memref_slice %arg5[%dma_wait3A_187] : memref<6400xi32, #tpu.memory_space<vmem>> -> memref<320xi32, #tpu.memory_space<vmem>>
    %dma_wait3A_189 = arith.constant 0 : i32
    %dma_wait3A_190 = arith.constant 0 : i32
    %dma_wait3A_191 = tpu.memref_slice %arg2[%dma_wait3A_189, %dma_wait3A_190] : memref<524800x128xf32, #tpu.memory_space<hbm>> -> memref<524800x128xf32, #tpu.memory_space<hbm>>
    tpu.wait_indirect_dma semaphore(%arg8 : memref<!tpu.dma_semaphore, #tpu.memory_space<semaphore_mem>>) src(%dma_wait3A_191 : memref<524800x128xf32, #tpu.memory_space<hbm>>) dst(%arg6 : memref<320x128xf32, #tpu.memory_space<vmem>>)
    %add3A_192 = arith.constant 2560 : i32
    %add3A_193 = arith.addi %mul3A_2, %add3A_192 : i32
    %dma_start3A_194 = arith.constant 0 : i32
    %dma_start3A_195 = tpu.memref_slice %arg4[%add3A_193, %dma_start3A_194] : memref<204800x128xf32, #tpu.memory_space<hbm>> -> memref<320x128xf32, #tpu.memory_space<hbm>>
    %dma_start3A_196 = arith.constant 0 : i32
    %dma_start3A_197 = tpu.memref_slice %arg4[%add3A_193, %dma_start3A_196] : memref<204800x128xf32, #tpu.memory_space<hbm>> -> memref<320x128xf32, #tpu.memory_space<hbm>>
    tpu.enqueue_dma source(%arg6 : memref<320x128xf32, #tpu.memory_space<vmem>>) target(%dma_start3A_197 : memref<320x128xf32, #tpu.memory_space<hbm>>) target_semaphore(%arg10 : memref<!tpu.dma_semaphore, #tpu.memory_space<semaphore_mem>>)
    %add3A_198 = arith.constant 2560 : i32
    %add3A_199 = arith.addi %mul3A_2, %add3A_198 : i32
    %dma_wait3A_200 = arith.constant 0 : i32
    %dma_wait3A_201 = tpu.memref_slice %arg4[%add3A_199, %dma_wait3A_200] : memref<204800x128xf32, #tpu.memory_space<hbm>> -> memref<320x128xf32, #tpu.memory_space<hbm>>
    %dma_wait3A_202 = arith.constant 0 : i32
    %dma_wait3A_203 = tpu.memref_slice %arg4[%add3A_199, %dma_wait3A_202] : memref<204800x128xf32, #tpu.memory_space<hbm>> -> memref<320x128xf32, #tpu.memory_space<hbm>>
    tpu.wait_dma2 semaphore(%arg10 : memref<!tpu.dma_semaphore, #tpu.memory_space<semaphore_mem>>) src(%arg6 : memref<320x128xf32, #tpu.memory_space<vmem>>) dst(%dma_wait3A_203 : memref<320x128xf32, #tpu.memory_space<hbm>>)
    %dma_start3A_204 = arith.constant 3200 : i32
    %dma_start3A_205 = tpu.memref_slice %arg5[%dma_start3A_204] : memref<6400xi32, #tpu.memory_space<vmem>> -> memref<320xi32, #tpu.memory_space<vmem>>
    %dma_start3A_206 = arith.constant 0 : i32
    %dma_start3A_207 = arith.constant 0 : i32
    %dma_start3A_208 = tpu.memref_slice %arg2[%dma_start3A_206, %dma_start3A_207] : memref<524800x128xf32, #tpu.memory_space<hbm>> -> memref<524800x128xf32, #tpu.memory_space<hbm>>
    tpu.enqueue_indirect_dma source(%dma_start3A_208 : memref<524800x128xf32, #tpu.memory_space<hbm>>) target(%arg6 : memref<320x128xf32, #tpu.memory_space<vmem>>) offsets(%dma_start3A_205 : memref<320xi32, #tpu.memory_space<vmem>>) semaphore(%arg8 : memref<!tpu.dma_semaphore, #tpu.memory_space<semaphore_mem>>)
    %dma_wait3A_209 = arith.constant 2880 : i32
    %dma_wait3A_210 = tpu.memref_slice %arg5[%dma_wait3A_209] : memref<6400xi32, #tpu.memory_space<vmem>> -> memref<320xi32, #tpu.memory_space<vmem>>
    %dma_wait3A_211 = arith.constant 0 : i32
    %dma_wait3A_212 = arith.constant 0 : i32
    %dma_wait3A_213 = tpu.memref_slice %arg2[%dma_wait3A_211, %dma_wait3A_212] : memref<524800x128xf32, #tpu.memory_space<hbm>> -> memref<524800x128xf32, #tpu.memory_space<hbm>>
    tpu.wait_indirect_dma semaphore(%arg9 : memref<!tpu.dma_semaphore, #tpu.memory_space<semaphore_mem>>) src(%dma_wait3A_213 : memref<524800x128xf32, #tpu.memory_space<hbm>>) dst(%arg7 : memref<320x128xf32, #tpu.memory_space<vmem>>)
    %add3A_214 = arith.constant 2880 : i32
    %add3A_215 = arith.addi %mul3A_2, %add3A_214 : i32
    %dma_start3A_216 = arith.constant 0 : i32
    %dma_start3A_217 = tpu.memref_slice %arg4[%add3A_215, %dma_start3A_216] : memref<204800x128xf32, #tpu.memory_space<hbm>> -> memref<320x128xf32, #tpu.memory_space<hbm>>
    %dma_start3A_218 = arith.constant 0 : i32
    %dma_start3A_219 = tpu.memref_slice %arg4[%add3A_215, %dma_start3A_218] : memref<204800x128xf32, #tpu.memory_space<hbm>> -> memref<320x128xf32, #tpu.memory_space<hbm>>
    tpu.enqueue_dma source(%arg7 : memref<320x128xf32, #tpu.memory_space<vmem>>) target(%dma_start3A_219 : memref<320x128xf32, #tpu.memory_space<hbm>>) target_semaphore(%arg11 : memref<!tpu.dma_semaphore, #tpu.memory_space<semaphore_mem>>)
    %add3A_220 = arith.constant 2880 : i32
    %add3A_221 = arith.addi %mul3A_2, %add3A_220 : i32
    %dma_wait3A_222 = arith.constant 0 : i32
    %dma_wait3A_223 = tpu.memref_slice %arg4[%add3A_221, %dma_wait3A_222] : memref<204800x128xf32, #tpu.memory_space<hbm>> -> memref<320x128xf32, #tpu.memory_space<hbm>>
    %dma_wait3A_224 = arith.constant 0 : i32
    %dma_wait3A_225 = tpu.memref_slice %arg4[%add3A_221, %dma_wait3A_224] : memref<204800x128xf32, #tpu.memory_space<hbm>> -> memref<320x128xf32, #tpu.memory_space<hbm>>
    tpu.wait_dma2 semaphore(%arg11 : memref<!tpu.dma_semaphore, #tpu.memory_space<semaphore_mem>>) src(%arg7 : memref<320x128xf32, #tpu.memory_space<vmem>>) dst(%dma_wait3A_225 : memref<320x128xf32, #tpu.memory_space<hbm>>)
    %dma_start3A_226 = arith.constant 3520 : i32
    %dma_start3A_227 = tpu.memref_slice %arg5[%dma_start3A_226] : memref<6400xi32, #tpu.memory_space<vmem>> -> memref<320xi32, #tpu.memory_space<vmem>>
    %dma_start3A_228 = arith.constant 0 : i32
    %dma_start3A_229 = arith.constant 0 : i32
    %dma_start3A_230 = tpu.memref_slice %arg2[%dma_start3A_228, %dma_start3A_229] : memref<524800x128xf32, #tpu.memory_space<hbm>> -> memref<524800x128xf32, #tpu.memory_space<hbm>>
    tpu.enqueue_indirect_dma source(%dma_start3A_230 : memref<524800x128xf32, #tpu.memory_space<hbm>>) target(%arg7 : memref<320x128xf32, #tpu.memory_space<vmem>>) offsets(%dma_start3A_227 : memref<320xi32, #tpu.memory_space<vmem>>) semaphore(%arg9 : memref<!tpu.dma_semaphore, #tpu.memory_space<semaphore_mem>>)
    %dma_wait3A_231 = arith.constant 3200 : i32
    %dma_wait3A_232 = tpu.memref_slice %arg5[%dma_wait3A_231] : memref<6400xi32, #tpu.memory_space<vmem>> -> memref<320xi32, #tpu.memory_space<vmem>>
    %dma_wait3A_233 = arith.constant 0 : i32
    %dma_wait3A_234 = arith.constant 0 : i32
    %dma_wait3A_235 = tpu.memref_slice %arg2[%dma_wait3A_233, %dma_wait3A_234] : memref<524800x128xf32, #tpu.memory_space<hbm>> -> memref<524800x128xf32, #tpu.memory_space<hbm>>
    tpu.wait_indirect_dma semaphore(%arg8 : memref<!tpu.dma_semaphore, #tpu.memory_space<semaphore_mem>>) src(%dma_wait3A_235 : memref<524800x128xf32, #tpu.memory_space<hbm>>) dst(%arg6 : memref<320x128xf32, #tpu.memory_space<vmem>>)
    %add3A_236 = arith.constant 3200 : i32
    %add3A_237 = arith.addi %mul3A_2, %add3A_236 : i32
    %dma_start3A_238 = arith.constant 0 : i32
    %dma_start3A_239 = tpu.memref_slice %arg4[%add3A_237, %dma_start3A_238] : memref<204800x128xf32, #tpu.memory_space<hbm>> -> memref<320x128xf32, #tpu.memory_space<hbm>>
    %dma_start3A_240 = arith.constant 0 : i32
    %dma_start3A_241 = tpu.memref_slice %arg4[%add3A_237, %dma_start3A_240] : memref<204800x128xf32, #tpu.memory_space<hbm>> -> memref<320x128xf32, #tpu.memory_space<hbm>>
    tpu.enqueue_dma source(%arg6 : memref<320x128xf32, #tpu.memory_space<vmem>>) target(%dma_start3A_241 : memref<320x128xf32, #tpu.memory_space<hbm>>) target_semaphore(%arg10 : memref<!tpu.dma_semaphore, #tpu.memory_space<semaphore_mem>>)
    %add3A_242 = arith.constant 3200 : i32
    %add3A_243 = arith.addi %mul3A_2, %add3A_242 : i32
    %dma_wait3A_244 = arith.constant 0 : i32
    %dma_wait3A_245 = tpu.memref_slice %arg4[%add3A_243, %dma_wait3A_244] : memref<204800x128xf32, #tpu.memory_space<hbm>> -> memref<320x128xf32, #tpu.memory_space<hbm>>
    %dma_wait3A_246 = arith.constant 0 : i32
    %dma_wait3A_247 = tpu.memref_slice %arg4[%add3A_243, %dma_wait3A_246] : memref<204800x128xf32, #tpu.memory_space<hbm>> -> memref<320x128xf32, #tpu.memory_space<hbm>>
    tpu.wait_dma2 semaphore(%arg10 : memref<!tpu.dma_semaphore, #tpu.memory_space<semaphore_mem>>) src(%arg6 : memref<320x128xf32, #tpu.memory_space<vmem>>) dst(%dma_wait3A_247 : memref<320x128xf32, #tpu.memory_space<hbm>>)
    %dma_start3A_248 = arith.constant 3840 : i32
    %dma_start3A_249 = tpu.memref_slice %arg5[%dma_start3A_248] : memref<6400xi32, #tpu.memory_space<vmem>> -> memref<320xi32, #tpu.memory_space<vmem>>
    %dma_start3A_250 = arith.constant 0 : i32
    %dma_start3A_251 = arith.constant 0 : i32
    %dma_start3A_252 = tpu.memref_slice %arg2[%dma_start3A_250, %dma_start3A_251] : memref<524800x128xf32, #tpu.memory_space<hbm>> -> memref<524800x128xf32, #tpu.memory_space<hbm>>
    tpu.enqueue_indirect_dma source(%dma_start3A_252 : memref<524800x128xf32, #tpu.memory_space<hbm>>) target(%arg6 : memref<320x128xf32, #tpu.memory_space<vmem>>) offsets(%dma_start3A_249 : memref<320xi32, #tpu.memory_space<vmem>>) semaphore(%arg8 : memref<!tpu.dma_semaphore, #tpu.memory_space<semaphore_mem>>)
    %dma_wait3A_253 = arith.constant 3520 : i32
    %dma_wait3A_254 = tpu.memref_slice %arg5[%dma_wait3A_253] : memref<6400xi32, #tpu.memory_space<vmem>> -> memref<320xi32, #tpu.memory_space<vmem>>
    %dma_wait3A_255 = arith.constant 0 : i32
    %dma_wait3A_256 = arith.constant 0 : i32
    %dma_wait3A_257 = tpu.memref_slice %arg2[%dma_wait3A_255, %dma_wait3A_256] : memref<524800x128xf32, #tpu.memory_space<hbm>> -> memref<524800x128xf32, #tpu.memory_space<hbm>>
    tpu.wait_indirect_dma semaphore(%arg9 : memref<!tpu.dma_semaphore, #tpu.memory_space<semaphore_mem>>) src(%dma_wait3A_257 : memref<524800x128xf32, #tpu.memory_space<hbm>>) dst(%arg7 : memref<320x128xf32, #tpu.memory_space<vmem>>)
    %add3A_258 = arith.constant 3520 : i32
    %add3A_259 = arith.addi %mul3A_2, %add3A_258 : i32
    %dma_start3A_260 = arith.constant 0 : i32
    %dma_start3A_261 = tpu.memref_slice %arg4[%add3A_259, %dma_start3A_260] : memref<204800x128xf32, #tpu.memory_space<hbm>> -> memref<320x128xf32, #tpu.memory_space<hbm>>
    %dma_start3A_262 = arith.constant 0 : i32
    %dma_start3A_263 = tpu.memref_slice %arg4[%add3A_259, %dma_start3A_262] : memref<204800x128xf32, #tpu.memory_space<hbm>> -> memref<320x128xf32, #tpu.memory_space<hbm>>
    tpu.enqueue_dma source(%arg7 : memref<320x128xf32, #tpu.memory_space<vmem>>) target(%dma_start3A_263 : memref<320x128xf32, #tpu.memory_space<hbm>>) target_semaphore(%arg11 : memref<!tpu.dma_semaphore, #tpu.memory_space<semaphore_mem>>)
    %add3A_264 = arith.constant 3520 : i32
    %add3A_265 = arith.addi %mul3A_2, %add3A_264 : i32
    %dma_wait3A_266 = arith.constant 0 : i32
    %dma_wait3A_267 = tpu.memref_slice %arg4[%add3A_265, %dma_wait3A_266] : memref<204800x128xf32, #tpu.memory_space<hbm>> -> memref<320x128xf32, #tpu.memory_space<hbm>>
    %dma_wait3A_268 = arith.constant 0 : i32
    %dma_wait3A_269 = tpu.memref_slice %arg4[%add3A_265, %dma_wait3A_268] : memref<204800x128xf32, #tpu.memory_space<hbm>> -> memref<320x128xf32, #tpu.memory_space<hbm>>
    tpu.wait_dma2 semaphore(%arg11 : memref<!tpu.dma_semaphore, #tpu.memory_space<semaphore_mem>>) src(%arg7 : memref<320x128xf32, #tpu.memory_space<vmem>>) dst(%dma_wait3A_269 : memref<320x128xf32, #tpu.memory_space<hbm>>)
    %dma_start3A_270 = arith.constant 4160 : i32
    %dma_start3A_271 = tpu.memref_slice %arg5[%dma_start3A_270] : memref<6400xi32, #tpu.memory_space<vmem>> -> memref<320xi32, #tpu.memory_space<vmem>>
    %dma_start3A_272 = arith.constant 0 : i32
    %dma_start3A_273 = arith.constant 0 : i32
    %dma_start3A_274 = tpu.memref_slice %arg2[%dma_start3A_272, %dma_start3A_273] : memref<524800x128xf32, #tpu.memory_space<hbm>> -> memref<524800x128xf32, #tpu.memory_space<hbm>>
    tpu.enqueue_indirect_dma source(%dma_start3A_274 : memref<524800x128xf32, #tpu.memory_space<hbm>>) target(%arg7 : memref<320x128xf32, #tpu.memory_space<vmem>>) offsets(%dma_start3A_271 : memref<320xi32, #tpu.memory_space<vmem>>) semaphore(%arg9 : memref<!tpu.dma_semaphore, #tpu.memory_space<semaphore_mem>>)
    %dma_wait3A_275 = arith.constant 3840 : i32
    %dma_wait3A_276 = tpu.memref_slice %arg5[%dma_wait3A_275] : memref<6400xi32, #tpu.memory_space<vmem>> -> memref<320xi32, #tpu.memory_space<vmem>>
    %dma_wait3A_277 = arith.constant 0 : i32
    %dma_wait3A_278 = arith.constant 0 : i32
    %dma_wait3A_279 = tpu.memref_slice %arg2[%dma_wait3A_277, %dma_wait3A_278] : memref<524800x128xf32, #tpu.memory_space<hbm>> -> memref<524800x128xf32, #tpu.memory_space<hbm>>
    tpu.wait_indirect_dma semaphore(%arg8 : memref<!tpu.dma_semaphore, #tpu.memory_space<semaphore_mem>>) src(%dma_wait3A_279 : memref<524800x128xf32, #tpu.memory_space<hbm>>) dst(%arg6 : memref<320x128xf32, #tpu.memory_space<vmem>>)
    %add3A_280 = arith.constant 3840 : i32
    %add3A_281 = arith.addi %mul3A_2, %add3A_280 : i32
    %dma_start3A_282 = arith.constant 0 : i32
    %dma_start3A_283 = tpu.memref_slice %arg4[%add3A_281, %dma_start3A_282] : memref<204800x128xf32, #tpu.memory_space<hbm>> -> memref<320x128xf32, #tpu.memory_space<hbm>>
    %dma_start3A_284 = arith.constant 0 : i32
    %dma_start3A_285 = tpu.memref_slice %arg4[%add3A_281, %dma_start3A_284] : memref<204800x128xf32, #tpu.memory_space<hbm>> -> memref<320x128xf32, #tpu.memory_space<hbm>>
    tpu.enqueue_dma source(%arg6 : memref<320x128xf32, #tpu.memory_space<vmem>>) target(%dma_start3A_285 : memref<320x128xf32, #tpu.memory_space<hbm>>) target_semaphore(%arg10 : memref<!tpu.dma_semaphore, #tpu.memory_space<semaphore_mem>>)
    %add3A_286 = arith.constant 3840 : i32
    %add3A_287 = arith.addi %mul3A_2, %add3A_286 : i32
    %dma_wait3A_288 = arith.constant 0 : i32
    %dma_wait3A_289 = tpu.memref_slice %arg4[%add3A_287, %dma_wait3A_288] : memref<204800x128xf32, #tpu.memory_space<hbm>> -> memref<320x128xf32, #tpu.memory_space<hbm>>
    %dma_wait3A_290 = arith.constant 0 : i32
    %dma_wait3A_291 = tpu.memref_slice %arg4[%add3A_287, %dma_wait3A_290] : memref<204800x128xf32, #tpu.memory_space<hbm>> -> memref<320x128xf32, #tpu.memory_space<hbm>>
    tpu.wait_dma2 semaphore(%arg10 : memref<!tpu.dma_semaphore, #tpu.memory_space<semaphore_mem>>) src(%arg6 : memref<320x128xf32, #tpu.memory_space<vmem>>) dst(%dma_wait3A_291 : memref<320x128xf32, #tpu.memory_space<hbm>>)
    %dma_start3A_292 = arith.constant 4480 : i32
    %dma_start3A_293 = tpu.memref_slice %arg5[%dma_start3A_292] : memref<6400xi32, #tpu.memory_space<vmem>> -> memref<320xi32, #tpu.memory_space<vmem>>
    %dma_start3A_294 = arith.constant 0 : i32
    %dma_start3A_295 = arith.constant 0 : i32
    %dma_start3A_296 = tpu.memref_slice %arg2[%dma_start3A_294, %dma_start3A_295] : memref<524800x128xf32, #tpu.memory_space<hbm>> -> memref<524800x128xf32, #tpu.memory_space<hbm>>
    tpu.enqueue_indirect_dma source(%dma_start3A_296 : memref<524800x128xf32, #tpu.memory_space<hbm>>) target(%arg6 : memref<320x128xf32, #tpu.memory_space<vmem>>) offsets(%dma_start3A_293 : memref<320xi32, #tpu.memory_space<vmem>>) semaphore(%arg8 : memref<!tpu.dma_semaphore, #tpu.memory_space<semaphore_mem>>)
    %dma_wait3A_297 = arith.constant 4160 : i32
    %dma_wait3A_298 = tpu.memref_slice %arg5[%dma_wait3A_297] : memref<6400xi32, #tpu.memory_space<vmem>> -> memref<320xi32, #tpu.memory_space<vmem>>
    %dma_wait3A_299 = arith.constant 0 : i32
    %dma_wait3A_300 = arith.constant 0 : i32
    %dma_wait3A_301 = tpu.memref_slice %arg2[%dma_wait3A_299, %dma_wait3A_300] : memref<524800x128xf32, #tpu.memory_space<hbm>> -> memref<524800x128xf32, #tpu.memory_space<hbm>>
    tpu.wait_indirect_dma semaphore(%arg9 : memref<!tpu.dma_semaphore, #tpu.memory_space<semaphore_mem>>) src(%dma_wait3A_301 : memref<524800x128xf32, #tpu.memory_space<hbm>>) dst(%arg7 : memref<320x128xf32, #tpu.memory_space<vmem>>)
    %add3A_302 = arith.constant 4160 : i32
    %add3A_303 = arith.addi %mul3A_2, %add3A_302 : i32
    %dma_start3A_304 = arith.constant 0 : i32
    %dma_start3A_305 = tpu.memref_slice %arg4[%add3A_303, %dma_start3A_304] : memref<204800x128xf32, #tpu.memory_space<hbm>> -> memref<320x128xf32, #tpu.memory_space<hbm>>
    %dma_start3A_306 = arith.constant 0 : i32
    %dma_start3A_307 = tpu.memref_slice %arg4[%add3A_303, %dma_start3A_306] : memref<204800x128xf32, #tpu.memory_space<hbm>> -> memref<320x128xf32, #tpu.memory_space<hbm>>
    tpu.enqueue_dma source(%arg7 : memref<320x128xf32, #tpu.memory_space<vmem>>) target(%dma_start3A_307 : memref<320x128xf32, #tpu.memory_space<hbm>>) target_semaphore(%arg11 : memref<!tpu.dma_semaphore, #tpu.memory_space<semaphore_mem>>)
    %add3A_308 = arith.constant 4160 : i32
    %add3A_309 = arith.addi %mul3A_2, %add3A_308 : i32
    %dma_wait3A_310 = arith.constant 0 : i32
    %dma_wait3A_311 = tpu.memref_slice %arg4[%add3A_309, %dma_wait3A_310] : memref<204800x128xf32, #tpu.memory_space<hbm>> -> memref<320x128xf32, #tpu.memory_space<hbm>>
    %dma_wait3A_312 = arith.constant 0 : i32
    %dma_wait3A_313 = tpu.memref_slice %arg4[%add3A_309, %dma_wait3A_312] : memref<204800x128xf32, #tpu.memory_space<hbm>> -> memref<320x128xf32, #tpu.memory_space<hbm>>
    tpu.wait_dma2 semaphore(%arg11 : memref<!tpu.dma_semaphore, #tpu.memory_space<semaphore_mem>>) src(%arg7 : memref<320x128xf32, #tpu.memory_space<vmem>>) dst(%dma_wait3A_313 : memref<320x128xf32, #tpu.memory_space<hbm>>)
    %dma_start3A_314 = arith.constant 4800 : i32
    %dma_start3A_315 = tpu.memref_slice %arg5[%dma_start3A_314] : memref<6400xi32, #tpu.memory_space<vmem>> -> memref<320xi32, #tpu.memory_space<vmem>>
    %dma_start3A_316 = arith.constant 0 : i32
    %dma_start3A_317 = arith.constant 0 : i32
    %dma_start3A_318 = tpu.memref_slice %arg2[%dma_start3A_316, %dma_start3A_317] : memref<524800x128xf32, #tpu.memory_space<hbm>> -> memref<524800x128xf32, #tpu.memory_space<hbm>>
    tpu.enqueue_indirect_dma source(%dma_start3A_318 : memref<524800x128xf32, #tpu.memory_space<hbm>>) target(%arg7 : memref<320x128xf32, #tpu.memory_space<vmem>>) offsets(%dma_start3A_315 : memref<320xi32, #tpu.memory_space<vmem>>) semaphore(%arg9 : memref<!tpu.dma_semaphore, #tpu.memory_space<semaphore_mem>>)
    %dma_wait3A_319 = arith.constant 4480 : i32
    %dma_wait3A_320 = tpu.memref_slice %arg5[%dma_wait3A_319] : memref<6400xi32, #tpu.memory_space<vmem>> -> memref<320xi32, #tpu.memory_space<vmem>>
    %dma_wait3A_321 = arith.constant 0 : i32
    %dma_wait3A_322 = arith.constant 0 : i32
    %dma_wait3A_323 = tpu.memref_slice %arg2[%dma_wait3A_321, %dma_wait3A_322] : memref<524800x128xf32, #tpu.memory_space<hbm>> -> memref<524800x128xf32, #tpu.memory_space<hbm>>
    tpu.wait_indirect_dma semaphore(%arg8 : memref<!tpu.dma_semaphore, #tpu.memory_space<semaphore_mem>>) src(%dma_wait3A_323 : memref<524800x128xf32, #tpu.memory_space<hbm>>) dst(%arg6 : memref<320x128xf32, #tpu.memory_space<vmem>>)
    %add3A_324 = arith.constant 4480 : i32
    %add3A_325 = arith.addi %mul3A_2, %add3A_324 : i32
    %dma_start3A_326 = arith.constant 0 : i32
    %dma_start3A_327 = tpu.memref_slice %arg4[%add3A_325, %dma_start3A_326] : memref<204800x128xf32, #tpu.memory_space<hbm>> -> memref<320x128xf32, #tpu.memory_space<hbm>>
    %dma_start3A_328 = arith.constant 0 : i32
    %dma_start3A_329 = tpu.memref_slice %arg4[%add3A_325, %dma_start3A_328] : memref<204800x128xf32, #tpu.memory_space<hbm>> -> memref<320x128xf32, #tpu.memory_space<hbm>>
    tpu.enqueue_dma source(%arg6 : memref<320x128xf32, #tpu.memory_space<vmem>>) target(%dma_start3A_329 : memref<320x128xf32, #tpu.memory_space<hbm>>) target_semaphore(%arg10 : memref<!tpu.dma_semaphore, #tpu.memory_space<semaphore_mem>>)
    %add3A_330 = arith.constant 4480 : i32
    %add3A_331 = arith.addi %mul3A_2, %add3A_330 : i32
    %dma_wait3A_332 = arith.constant 0 : i32
    %dma_wait3A_333 = tpu.memref_slice %arg4[%add3A_331, %dma_wait3A_332] : memref<204800x128xf32, #tpu.memory_space<hbm>> -> memref<320x128xf32, #tpu.memory_space<hbm>>
    %dma_wait3A_334 = arith.constant 0 : i32
    %dma_wait3A_335 = tpu.memref_slice %arg4[%add3A_331, %dma_wait3A_334] : memref<204800x128xf32, #tpu.memory_space<hbm>> -> memref<320x128xf32, #tpu.memory_space<hbm>>
    tpu.wait_dma2 semaphore(%arg10 : memref<!tpu.dma_semaphore, #tpu.memory_space<semaphore_mem>>) src(%arg6 : memref<320x128xf32, #tpu.memory_space<vmem>>) dst(%dma_wait3A_335 : memref<320x128xf32, #tpu.memory_space<hbm>>)
    %dma_start3A_336 = arith.constant 5120 : i32
    %dma_start3A_337 = tpu.memref_slice %arg5[%dma_start3A_336] : memref<6400xi32, #tpu.memory_space<vmem>> -> memref<320xi32, #tpu.memory_space<vmem>>
    %dma_start3A_338 = arith.constant 0 : i32
    %dma_start3A_339 = arith.constant 0 : i32
    %dma_start3A_340 = tpu.memref_slice %arg2[%dma_start3A_338, %dma_start3A_339] : memref<524800x128xf32, #tpu.memory_space<hbm>> -> memref<524800x128xf32, #tpu.memory_space<hbm>>
    tpu.enqueue_indirect_dma source(%dma_start3A_340 : memref<524800x128xf32, #tpu.memory_space<hbm>>) target(%arg6 : memref<320x128xf32, #tpu.memory_space<vmem>>) offsets(%dma_start3A_337 : memref<320xi32, #tpu.memory_space<vmem>>) semaphore(%arg8 : memref<!tpu.dma_semaphore, #tpu.memory_space<semaphore_mem>>)
    %dma_wait3A_341 = arith.constant 4800 : i32
    %dma_wait3A_342 = tpu.memref_slice %arg5[%dma_wait3A_341] : memref<6400xi32, #tpu.memory_space<vmem>> -> memref<320xi32, #tpu.memory_space<vmem>>
    %dma_wait3A_343 = arith.constant 0 : i32
    %dma_wait3A_344 = arith.constant 0 : i32
    %dma_wait3A_345 = tpu.memref_slice %arg2[%dma_wait3A_343, %dma_wait3A_344] : memref<524800x128xf32, #tpu.memory_space<hbm>> -> memref<524800x128xf32, #tpu.memory_space<hbm>>
    tpu.wait_indirect_dma semaphore(%arg9 : memref<!tpu.dma_semaphore, #tpu.memory_space<semaphore_mem>>) src(%dma_wait3A_345 : memref<524800x128xf32, #tpu.memory_space<hbm>>) dst(%arg7 : memref<320x128xf32, #tpu.memory_space<vmem>>)
    %add3A_346 = arith.constant 4800 : i32
    %add3A_347 = arith.addi %mul3A_2, %add3A_346 : i32
    %dma_start3A_348 = arith.constant 0 : i32
    %dma_start3A_349 = tpu.memref_slice %arg4[%add3A_347, %dma_start3A_348] : memref<204800x128xf32, #tpu.memory_space<hbm>> -> memref<320x128xf32, #tpu.memory_space<hbm>>
    %dma_start3A_350 = arith.constant 0 : i32
    %dma_start3A_351 = tpu.memref_slice %arg4[%add3A_347, %dma_start3A_350] : memref<204800x128xf32, #tpu.memory_space<hbm>> -> memref<320x128xf32, #tpu.memory_space<hbm>>
    tpu.enqueue_dma source(%arg7 : memref<320x128xf32, #tpu.memory_space<vmem>>) target(%dma_start3A_351 : memref<320x128xf32, #tpu.memory_space<hbm>>) target_semaphore(%arg11 : memref<!tpu.dma_semaphore, #tpu.memory_space<semaphore_mem>>)
    %add3A_352 = arith.constant 4800 : i32
    %add3A_353 = arith.addi %mul3A_2, %add3A_352 : i32
    %dma_wait3A_354 = arith.constant 0 : i32
    %dma_wait3A_355 = tpu.memref_slice %arg4[%add3A_353, %dma_wait3A_354] : memref<204800x128xf32, #tpu.memory_space<hbm>> -> memref<320x128xf32, #tpu.memory_space<hbm>>
    %dma_wait3A_356 = arith.constant 0 : i32
    %dma_wait3A_357 = tpu.memref_slice %arg4[%add3A_353, %dma_wait3A_356] : memref<204800x128xf32, #tpu.memory_space<hbm>> -> memref<320x128xf32, #tpu.memory_space<hbm>>
    tpu.wait_dma2 semaphore(%arg11 : memref<!tpu.dma_semaphore, #tpu.memory_space<semaphore_mem>>) src(%arg7 : memref<320x128xf32, #tpu.memory_space<vmem>>) dst(%dma_wait3A_357 : memref<320x128xf32, #tpu.memory_space<hbm>>)
    %dma_start3A_358 = arith.constant 5440 : i32
    %dma_start3A_359 = tpu.memref_slice %arg5[%dma_start3A_358] : memref<6400xi32, #tpu.memory_space<vmem>> -> memref<320xi32, #tpu.memory_space<vmem>>
    %dma_start3A_360 = arith.constant 0 : i32
    %dma_start3A_361 = arith.constant 0 : i32
    %dma_start3A_362 = tpu.memref_slice %arg2[%dma_start3A_360, %dma_start3A_361] : memref<524800x128xf32, #tpu.memory_space<hbm>> -> memref<524800x128xf32, #tpu.memory_space<hbm>>
    tpu.enqueue_indirect_dma source(%dma_start3A_362 : memref<524800x128xf32, #tpu.memory_space<hbm>>) target(%arg7 : memref<320x128xf32, #tpu.memory_space<vmem>>) offsets(%dma_start3A_359 : memref<320xi32, #tpu.memory_space<vmem>>) semaphore(%arg9 : memref<!tpu.dma_semaphore, #tpu.memory_space<semaphore_mem>>)
    %dma_wait3A_363 = arith.constant 5120 : i32
    %dma_wait3A_364 = tpu.memref_slice %arg5[%dma_wait3A_363] : memref<6400xi32, #tpu.memory_space<vmem>> -> memref<320xi32, #tpu.memory_space<vmem>>
    %dma_wait3A_365 = arith.constant 0 : i32
    %dma_wait3A_366 = arith.constant 0 : i32
    %dma_wait3A_367 = tpu.memref_slice %arg2[%dma_wait3A_365, %dma_wait3A_366] : memref<524800x128xf32, #tpu.memory_space<hbm>> -> memref<524800x128xf32, #tpu.memory_space<hbm>>
    tpu.wait_indirect_dma semaphore(%arg8 : memref<!tpu.dma_semaphore, #tpu.memory_space<semaphore_mem>>) src(%dma_wait3A_367 : memref<524800x128xf32, #tpu.memory_space<hbm>>) dst(%arg6 : memref<320x128xf32, #tpu.memory_space<vmem>>)
    %add3A_368 = arith.constant 5120 : i32
    %add3A_369 = arith.addi %mul3A_2, %add3A_368 : i32
    %dma_start3A_370 = arith.constant 0 : i32
    %dma_start3A_371 = tpu.memref_slice %arg4[%add3A_369, %dma_start3A_370] : memref<204800x128xf32, #tpu.memory_space<hbm>> -> memref<320x128xf32, #tpu.memory_space<hbm>>
    %dma_start3A_372 = arith.constant 0 : i32
    %dma_start3A_373 = tpu.memref_slice %arg4[%add3A_369, %dma_start3A_372] : memref<204800x128xf32, #tpu.memory_space<hbm>> -> memref<320x128xf32, #tpu.memory_space<hbm>>
    tpu.enqueue_dma source(%arg6 : memref<320x128xf32, #tpu.memory_space<vmem>>) target(%dma_start3A_373 : memref<320x128xf32, #tpu.memory_space<hbm>>) target_semaphore(%arg10 : memref<!tpu.dma_semaphore, #tpu.memory_space<semaphore_mem>>)
    %add3A_374 = arith.constant 5120 : i32
    %add3A_375 = arith.addi %mul3A_2, %add3A_374 : i32
    %dma_wait3A_376 = arith.constant 0 : i32
    %dma_wait3A_377 = tpu.memref_slice %arg4[%add3A_375, %dma_wait3A_376] : memref<204800x128xf32, #tpu.memory_space<hbm>> -> memref<320x128xf32, #tpu.memory_space<hbm>>
    %dma_wait3A_378 = arith.constant 0 : i32
    %dma_wait3A_379 = tpu.memref_slice %arg4[%add3A_375, %dma_wait3A_378] : memref<204800x128xf32, #tpu.memory_space<hbm>> -> memref<320x128xf32, #tpu.memory_space<hbm>>
    tpu.wait_dma2 semaphore(%arg10 : memref<!tpu.dma_semaphore, #tpu.memory_space<semaphore_mem>>) src(%arg6 : memref<320x128xf32, #tpu.memory_space<vmem>>) dst(%dma_wait3A_379 : memref<320x128xf32, #tpu.memory_space<hbm>>)
    %dma_start3A_380 = arith.constant 5760 : i32
    %dma_start3A_381 = tpu.memref_slice %arg5[%dma_start3A_380] : memref<6400xi32, #tpu.memory_space<vmem>> -> memref<320xi32, #tpu.memory_space<vmem>>
    %dma_start3A_382 = arith.constant 0 : i32
    %dma_start3A_383 = arith.constant 0 : i32
    %dma_start3A_384 = tpu.memref_slice %arg2[%dma_start3A_382, %dma_start3A_383] : memref<524800x128xf32, #tpu.memory_space<hbm>> -> memref<524800x128xf32, #tpu.memory_space<hbm>>
    tpu.enqueue_indirect_dma source(%dma_start3A_384 : memref<524800x128xf32, #tpu.memory_space<hbm>>) target(%arg6 : memref<320x128xf32, #tpu.memory_space<vmem>>) offsets(%dma_start3A_381 : memref<320xi32, #tpu.memory_space<vmem>>) semaphore(%arg8 : memref<!tpu.dma_semaphore, #tpu.memory_space<semaphore_mem>>)
    %dma_wait3A_385 = arith.constant 5440 : i32
    %dma_wait3A_386 = tpu.memref_slice %arg5[%dma_wait3A_385] : memref<6400xi32, #tpu.memory_space<vmem>> -> memref<320xi32, #tpu.memory_space<vmem>>
    %dma_wait3A_387 = arith.constant 0 : i32
    %dma_wait3A_388 = arith.constant 0 : i32
    %dma_wait3A_389 = tpu.memref_slice %arg2[%dma_wait3A_387, %dma_wait3A_388] : memref<524800x128xf32, #tpu.memory_space<hbm>> -> memref<524800x128xf32, #tpu.memory_space<hbm>>
    tpu.wait_indirect_dma semaphore(%arg9 : memref<!tpu.dma_semaphore, #tpu.memory_space<semaphore_mem>>) src(%dma_wait3A_389 : memref<524800x128xf32, #tpu.memory_space<hbm>>) dst(%arg7 : memref<320x128xf32, #tpu.memory_space<vmem>>)
    %add3A_390 = arith.constant 5440 : i32
    %add3A_391 = arith.addi %mul3A_2, %add3A_390 : i32
    %dma_start3A_392 = arith.constant 0 : i32
    %dma_start3A_393 = tpu.memref_slice %arg4[%add3A_391, %dma_start3A_392] : memref<204800x128xf32, #tpu.memory_space<hbm>> -> memref<320x128xf32, #tpu.memory_space<hbm>>
    %dma_start3A_394 = arith.constant 0 : i32
    %dma_start3A_395 = tpu.memref_slice %arg4[%add3A_391, %dma_start3A_394] : memref<204800x128xf32, #tpu.memory_space<hbm>> -> memref<320x128xf32, #tpu.memory_space<hbm>>
    tpu.enqueue_dma source(%arg7 : memref<320x128xf32, #tpu.memory_space<vmem>>) target(%dma_start3A_395 : memref<320x128xf32, #tpu.memory_space<hbm>>) target_semaphore(%arg11 : memref<!tpu.dma_semaphore, #tpu.memory_space<semaphore_mem>>)
    %add3A_396 = arith.constant 5440 : i32
    %add3A_397 = arith.addi %mul3A_2, %add3A_396 : i32
    %dma_wait3A_398 = arith.constant 0 : i32
    %dma_wait3A_399 = tpu.memref_slice %arg4[%add3A_397, %dma_wait3A_398] : memref<204800x128xf32, #tpu.memory_space<hbm>> -> memref<320x128xf32, #tpu.memory_space<hbm>>
    %dma_wait3A_400 = arith.constant 0 : i32
    %dma_wait3A_401 = tpu.memref_slice %arg4[%add3A_397, %dma_wait3A_400] : memref<204800x128xf32, #tpu.memory_space<hbm>> -> memref<320x128xf32, #tpu.memory_space<hbm>>
    tpu.wait_dma2 semaphore(%arg11 : memref<!tpu.dma_semaphore, #tpu.memory_space<semaphore_mem>>) src(%arg7 : memref<320x128xf32, #tpu.memory_space<vmem>>) dst(%dma_wait3A_401 : memref<320x128xf32, #tpu.memory_space<hbm>>)
    %dma_start3A_402 = arith.constant 6080 : i32
    %dma_start3A_403 = tpu.memref_slice %arg5[%dma_start3A_402] : memref<6400xi32, #tpu.memory_space<vmem>> -> memref<320xi32, #tpu.memory_space<vmem>>
    %dma_start3A_404 = arith.constant 0 : i32
    %dma_start3A_405 = arith.constant 0 : i32
    %dma_start3A_406 = tpu.memref_slice %arg2[%dma_start3A_404, %dma_start3A_405] : memref<524800x128xf32, #tpu.memory_space<hbm>> -> memref<524800x128xf32, #tpu.memory_space<hbm>>
    tpu.enqueue_indirect_dma source(%dma_start3A_406 : memref<524800x128xf32, #tpu.memory_space<hbm>>) target(%arg7 : memref<320x128xf32, #tpu.memory_space<vmem>>) offsets(%dma_start3A_403 : memref<320xi32, #tpu.memory_space<vmem>>) semaphore(%arg9 : memref<!tpu.dma_semaphore, #tpu.memory_space<semaphore_mem>>)
    %dma_wait3A_407 = arith.constant 5760 : i32
    %dma_wait3A_408 = tpu.memref_slice %arg5[%dma_wait3A_407] : memref<6400xi32, #tpu.memory_space<vmem>> -> memref<320xi32, #tpu.memory_space<vmem>>
    %dma_wait3A_409 = arith.constant 0 : i32
    %dma_wait3A_410 = arith.constant 0 : i32
    %dma_wait3A_411 = tpu.memref_slice %arg2[%dma_wait3A_409, %dma_wait3A_410] : memref<524800x128xf32, #tpu.memory_space<hbm>> -> memref<524800x128xf32, #tpu.memory_space<hbm>>
    tpu.wait_indirect_dma semaphore(%arg8 : memref<!tpu.dma_semaphore, #tpu.memory_space<semaphore_mem>>) src(%dma_wait3A_411 : memref<524800x128xf32, #tpu.memory_space<hbm>>) dst(%arg6 : memref<320x128xf32, #tpu.memory_space<vmem>>)
    %add3A_412 = arith.constant 5760 : i32
    %add3A_413 = arith.addi %mul3A_2, %add3A_412 : i32
    %dma_start3A_414 = arith.constant 0 : i32
    %dma_start3A_415 = tpu.memref_slice %arg4[%add3A_413, %dma_start3A_414] : memref<204800x128xf32, #tpu.memory_space<hbm>> -> memref<320x128xf32, #tpu.memory_space<hbm>>
    %dma_start3A_416 = arith.constant 0 : i32
    %dma_start3A_417 = tpu.memref_slice %arg4[%add3A_413, %dma_start3A_416] : memref<204800x128xf32, #tpu.memory_space<hbm>> -> memref<320x128xf32, #tpu.memory_space<hbm>>
    tpu.enqueue_dma source(%arg6 : memref<320x128xf32, #tpu.memory_space<vmem>>) target(%dma_start3A_417 : memref<320x128xf32, #tpu.memory_space<hbm>>) target_semaphore(%arg10 : memref<!tpu.dma_semaphore, #tpu.memory_space<semaphore_mem>>)
    %dma_wait3A_418 = arith.constant 6080 : i32
    %dma_wait3A_419 = tpu.memref_slice %arg5[%dma_wait3A_418] : memref<6400xi32, #tpu.memory_space<vmem>> -> memref<320xi32, #tpu.memory_space<vmem>>
    %dma_wait3A_420 = arith.constant 0 : i32
    %dma_wait3A_421 = arith.constant 0 : i32
    %dma_wait3A_422 = tpu.memref_slice %arg2[%dma_wait3A_420, %dma_wait3A_421] : memref<524800x128xf32, #tpu.memory_space<hbm>> -> memref<524800x128xf32, #tpu.memory_space<hbm>>
    tpu.wait_indirect_dma semaphore(%arg9 : memref<!tpu.dma_semaphore, #tpu.memory_space<semaphore_mem>>) src(%dma_wait3A_422 : memref<524800x128xf32, #tpu.memory_space<hbm>>) dst(%arg7 : memref<320x128xf32, #tpu.memory_space<vmem>>)
    %add3A_423 = arith.constant 6080 : i32
    %add3A_424 = arith.addi %mul3A_2, %add3A_423 : i32
    %dma_start3A_425 = arith.constant 0 : i32
    %dma_start3A_426 = tpu.memref_slice %arg4[%add3A_424, %dma_start3A_425] : memref<204800x128xf32, #tpu.memory_space<hbm>> -> memref<320x128xf32, #tpu.memory_space<hbm>>
    %dma_start3A_427 = arith.constant 0 : i32
    %dma_start3A_428 = tpu.memref_slice %arg4[%add3A_424, %dma_start3A_427] : memref<204800x128xf32, #tpu.memory_space<hbm>> -> memref<320x128xf32, #tpu.memory_space<hbm>>
    tpu.enqueue_dma source(%arg7 : memref<320x128xf32, #tpu.memory_space<vmem>>) target(%dma_start3A_428 : memref<320x128xf32, #tpu.memory_space<hbm>>) target_semaphore(%arg11 : memref<!tpu.dma_semaphore, #tpu.memory_space<semaphore_mem>>)
    %add3A_429 = arith.constant 5760 : i32
    %add3A_430 = arith.addi %mul3A_2, %add3A_429 : i32
    %dma_wait3A_431 = arith.constant 0 : i32
    %dma_wait3A_432 = tpu.memref_slice %arg4[%add3A_430, %dma_wait3A_431] : memref<204800x128xf32, #tpu.memory_space<hbm>> -> memref<320x128xf32, #tpu.memory_space<hbm>>
    %dma_wait3A_433 = arith.constant 0 : i32
    %dma_wait3A_434 = tpu.memref_slice %arg4[%add3A_430, %dma_wait3A_433] : memref<204800x128xf32, #tpu.memory_space<hbm>> -> memref<320x128xf32, #tpu.memory_space<hbm>>
    tpu.wait_dma2 semaphore(%arg10 : memref<!tpu.dma_semaphore, #tpu.memory_space<semaphore_mem>>) src(%arg6 : memref<320x128xf32, #tpu.memory_space<vmem>>) dst(%dma_wait3A_434 : memref<320x128xf32, #tpu.memory_space<hbm>>)
    %add3A_435 = arith.constant 6080 : i32
    %add3A_436 = arith.addi %mul3A_2, %add3A_435 : i32
    %dma_wait3A_437 = arith.constant 0 : i32
    %dma_wait3A_438 = tpu.memref_slice %arg4[%add3A_436, %dma_wait3A_437] : memref<204800x128xf32, #tpu.memory_space<hbm>> -> memref<320x128xf32, #tpu.memory_space<hbm>>
    %dma_wait3A_439 = arith.constant 0 : i32
    %dma_wait3A_440 = tpu.memref_slice %arg4[%add3A_436, %dma_wait3A_439] : memref<204800x128xf32, #tpu.memory_space<hbm>> -> memref<320x128xf32, #tpu.memory_space<hbm>>
    tpu.wait_dma2 semaphore(%arg11 : memref<!tpu.dma_semaphore, #tpu.memory_space<semaphore_mem>>) src(%arg7 : memref<320x128xf32, #tpu.memory_space<vmem>>) dst(%dma_wait3A_440 : memref<320x128xf32, #tpu.memory_space<hbm>>)
    return
  }
}

module attributes {stable_mosaic.version = 14 : i64} {
  func.func @body(%arg0: i32, %arg1: memref<4096x128xf32, #tpu.memory_space<vmem>>, %arg2: memref<50x4096xi32, #tpu.memory_space<vmem>>, %arg3: memref<1x64x4096xf32, #tpu.memory_space<vmem>>) attributes {dimension_semantics = [#tpu.dimension_semantics<parallel>], iteration_bounds = array<i64: 50>, scalar_prefetch = 0 : i64, scratch_operands = 0 : i64, tpu.core_type = #tpu.core_type<tc>, window_params = [{transform_indices = @transform_0, window_bounds = array<i64: 4096, 128>}, {pipeline_mode = #tpu.pipeline_mode<synchronous>, transform_indices = @transform_1, window_bounds = array<i64: 50, 4096>}, {transform_indices = @transform_2, window_bounds = array<i64: 1, 64, 4096>}]} {
    %get3A = arith.index_cast %arg0 : i32 to index
    %get3A_0 = arith.constant 0 : index
    %get3A_1 = vector.load %arg2[%get3A, %get3A_0] : memref<50x4096xi32, #tpu.memory_space<vmem>>, vector<1x4096xi32>
    %squeeze3A = vector.shape_cast %get3A_1 : vector<1x4096xi32> to vector<4096xi32>
    %ge3A = arith.constant 524800 : i32
    %ge3A_2 = vector.broadcast %ge3A : i32 to vector<4096xi32>
    %ge3A_3 = arith.cmpi sge, %squeeze3A, %ge3A_2 : vector<4096xi32>
    %get3A_4 = arith.constant 0 : index
    %get3A_5 = arith.constant 0 : index
    %get3A_6 = vector.load %arg1[%get3A_4, %get3A_5] : memref<4096x128xf32, #tpu.memory_space<vmem>>, vector<4096x64xf32>
    %transpose3A = tpu.transpose %get3A_6, [1, 0] : vector<4096x64xf32> -> vector<64x4096xf32>
    %get3A_7 = arith.constant 0 : index
    %get3A_8 = arith.constant 64 : index
    %get3A_9 = vector.load %arg1[%get3A_7, %get3A_8] : memref<4096x128xf32, #tpu.memory_space<vmem>>, vector<4096x64xf32>
    %transpose3A_10 = tpu.transpose %get3A_9, [1, 0] : vector<4096x64xf32> -> vector<64x4096xf32>
    %broadcast_in_dim3A = vector.shape_cast %ge3A_3 : vector<4096xi1> to vector<1x4096xi1>
    %broadcast_in_dim3A_11 = vector.shape_cast %broadcast_in_dim3A : vector<1x4096xi1> to vector<1x4096xi1>
    %broadcast_in_dim3A_12 = vector.broadcast %broadcast_in_dim3A_11 : vector<1x4096xi1> to vector<64x4096xi1>
    %select_n3A = arith.select %broadcast_in_dim3A_12, %transpose3A_10, %transpose3A : vector<64x4096xi1>, vector<64x4096xf32>
    %swap3A = arith.constant 0 : index
    %swap3A_13 = arith.constant 0 : index
    %swap3A_14 = arith.constant 0 : index
    %swap3A_15 = vector.load %arg3[%swap3A, %swap3A_13, %swap3A_14] : memref<1x64x4096xf32, #tpu.memory_space<vmem>>, vector<1x64x4096xf32>
    %swap3A_16 = vector.shape_cast %swap3A_15 : vector<1x64x4096xf32> to vector<64x4096xf32>
    %swap3A_17 = vector.shape_cast %select_n3A : vector<64x4096xf32> to vector<1x64x4096xf32>
    tpu.vector_store %arg3[%swap3A, %swap3A_13, %swap3A_14], %swap3A_17 {strides = array<i32>} : memref<1x64x4096xf32, #tpu.memory_space<vmem>>, vector<1x64x4096xf32>,
    return
  }
  func.func @transform_0(%arg0: i32) -> (i32, i32) {
    %c0_i32 = arith.constant 0 : i32
    %c0_i32_0 = arith.constant 0 : i32
    return %arg0, %c0_i32 : i32, i32
  }
  func.func @transform_1(%arg0: i32) -> (i32, i32) {
    %c0_i32 = arith.constant 0 : i32
    %c0_i32_0 = arith.constant 0 : i32
    %c0_i32_1 = arith.constant 0 : i32
    return %c0_i32, %c0_i32_0 : i32, i32
  }
  func.func @transform_2(%arg0: i32) -> (i32, i32, i32) {
    %c0_i32 = arith.constant 0 : i32
    %c0_i32_0 = arith.constant 0 : i32
    %c0_i32_1 = arith.constant 0 : i32
    return %arg0, %c0_i32, %c0_i32_0 : i32, i32, i32
  }
}

</mosaic_0001>

<sc_bundles>
// kernel: kernel.4.cloned.1.call-start
scs
__scs_entry_jumppad:
0x0: {  	(pc) =	sbr.rel $0x88, $3  }
0x1: {  	(tag) =	ssettag $0x0;
	lr =	simm.s32 $0x1  }
0x2: {  	[smem:$0x3F9F] =	sst lr;
	_ =	strace $0xD0000000  }
0x3: {  	_ = 	snop  }
0x4: {  	_ = 	snop  }
0x5: {  	_ = 	snop  }
0x6: {  	_ = 	snop  }
0x7: {  	_ = 	snop  }
__scs_overlays_trampoline_lowered:
0x8: {  	[smem:$0x3FAE] =	sst s0  }
0x9: {  	[smem:$0x3FAF] =	sst s1  }
0xa: {  	[smem:$0x3FB0] =	sst s2  }
0xb: {  	[smem:$0x3FB1] =	sst s3  }
0xc: {  	[smem:$0x3FB2] =	sst s4  }
0xd: {  	[smem:$0x3FB3] =	sst s5  }
0xe: {  	[smem:$0x3FB4] =	sst s6  }
0xf: {  	[smem:$0x3FB5] =	sst s7  }
0x10: {  	[smem:$0x3FB6] =	sst s8  }
0x11: {  	[smem:$0x3FB7] =	sst s9;
	s0 =	simm.s32 @!p0 $0x0  }
0x12: {  	s1 =	sld [smem:$0x3F9D];
	s0 =	simm.s32 @p0 $0x1  }
0x13: {  	[smem:$0x3FB8] =	sst s0;
	s0 =	simm.s32 @!p1 $0x0  }
0x14: {  	s2 =	sld [smem:$0x3F9C];
	s0 =	simm.s32 @p1 $0x1  }
0x15: {  	[smem:$0x3FB9] =	sst s0;
	s0 =	simm.s32 @!p2 $0x0  }
0x16: {  	s3 =	sld [smem:$0x3FDB];
	s0 =	simm.s32 @p2 $0x1  }
0x17: {  	s4 =	simm.s32 $0x1BF5;
	[smem:$0x3FBB] =	sst s0  }
0x18: {  	s0 =	sld [smem:$0x3F9E];
	_ =	swait.ge [sflag:s4], $0x0  }
0x19: {  	s7 =	sld [smem:$0x3F9F]  }
0x1a: {  	s8 =	sadd.s32 $0xFFFFE003, lr  }
0x1b: {  	s9 =	sadd.s32 $0xFFFFFEF7, lr;
	s5 =	simm.s32 $0xFFFFFFFF;
	p2 =	slt.u32 s8, $0xFFFFF086  }
0x1c: {  	p1 =	slt.u32 s9, $0xF7A;
	s5 =	simm.s32 @!p2 $0x0  }
0x1d: {  	s5 =	simm.s32 @p1 $0x1;
	p0 =	seq.s32 s7, s2  }
0x1e: {  	s7 =	smul.u32 @!p0 $0xF7A, s2;
	p2 =	seq.s32 @!p0 s5, $0x0  }
0x1f: {  	s9 =	smul.u32 $0xF7A, s1;
	s8 =	simm.s32 @!p0 $0x1BF5;
	p2 =	por !p2, p0  }
0x20: {  	[sflag:s8] =	ssyncset.s32 @!p0 $0xFFFFF086;
	s6 =	sadd.s32 @!p0 s3, s7;
	s7 =	simm.s32 @!p0 $0x108  }
0x21: {  	s3 =	sadd.s32 s3, s9;
	s6 =	sadd.s32 @!p0 $0x88, s6;
	s7 =	simm.s32 @p2 $0x1082  }
0x22: {  	[simem:s7], [sflag:s8] =	dma.local @!p0 [hbm:s6], $0xF7A  }
0x23: {  	s9 =	sor.u32 $0xD0000000, s2;
	s6 =	simm.s32 $0x108;
	_ =	swait.ge @!p0 [sflag:s8], $0x0  }
0x24: {  	s3 =	sadd.s32 $0x88, s3;
	s6 =	simm.s32 @!p1 $0x1082;
	[sflag:s4] =	ssyncset.s32 $0xFFFFF086  }
0x25: {  	[simem:s6], [sflag:s4] =	dma.local [hbm:s3], $0xF7A  }
0x26: {  	[smem:$0x3F9F] =	sst s1;
	(tag) =	ssettag s2;
	_ =	strace s9  }
0x27: {  	s1 =	sld [smem:$0x3FAF]  }
0x28: {  	s2 =	sld [smem:$0x3FB0]  }
0x29: {  	s4 =	sld [smem:$0x3FB2]  }
0x2a: {  	p0 =	seq.s32 s5, $0x0;
	s5 =	sld [smem:$0x3FB3]  }
0x2b: {  	s6 =	sld [smem:$0x3FB4]  }
0x2c: {  	s7 =	sld [smem:$0x3FB5]  }
0x2d: {  	s3 =	simm.s32 $0x108;
	s8 =	sld [smem:$0x3FB6]  }
0x2e: {  	s3 =	simm.s32 @!p0 $0x1082;
	s9 =	sld [smem:$0x3FB7]  }
0x2f: {  	lr =	sadd.s32 s0, s3;
	s0 =	sld [smem:$0x3FAE]  }
0x30: {  	s3 =	sld [smem:$0x3FB1]  }
0x31: {  	[smem:$0x3FBA] =	sst s10  }
0x32: {  	s10 =	sld [smem:$0x3FB8];
	_ =	sdelay $0x3  }
0x33: {  	p0 =	seq.s32 s10, $0x1;
	s10 =	sld [smem:$0x3FBA];
	_ =	sdelay $0x3  }
0x34: {  	[smem:$0x3FBA] =	sst s10  }
0x35: {  	s10 =	sld [smem:$0x3FB9];
	_ =	sdelay $0x3  }
0x36: {  	p1 =	seq.s32 s10, $0x1;
	s10 =	sld [smem:$0x3FBA];
	_ =	sdelay $0x3  }
0x37: {  	[smem:$0x3FBA] =	sst s10  }
0x38: {  	s10 =	sld [smem:$0x3FBB]  }
0x39: {  	_ = 	snop;
	(pc) =	sbr.ind lr, $3  }
0x3a: {  	_ = 	snop  }
0x3b: {  	_ = 	snop  }
0x3c: {  	p2 =	seq.s32 s10, $0x1;
	s10 =	sld [smem:$0x3FBA]  }
0x3d: {  	_ =	shalt  }
0x3e: {  	_ =	shalt  }
0x3f: {  	_ =	shalt  }
0x40: {  	_ =	shalt  }
0x41: {  	_ =	shalt  }
0x42: {  	_ =	shalt  }
0x43: {  	_ =	shalt  }
0x44: {  	_ =	shalt  }
0x45: {  	_ =	shalt  }
0x46: {  	_ =	shalt  }
0x47: {  	_ =	shalt  }
0x48: {  	_ =	shalt  }
0x49: {  	_ =	shalt  }
0x4a: {  	_ =	shalt  }
0x4b: {  	_ =	shalt  }
0x4c: {  	_ =	shalt  }
0x4d: {  	_ =	shalt  }
0x4e: {  	_ =	shalt  }
0x4f: {  	_ =	shalt  }
0x50: {  	_ =	shalt  }
0x51: {  	_ =	shalt  }
0x52: {  	_ =	shalt  }
0x53: {  	_ =	shalt  }
0x54: {  	_ =	shalt  }
0x55: {  	_ =	shalt  }
0x56: {  	_ =	shalt  }
0x57: {  	_ =	shalt  }
0x58: {  	_ =	shalt  }
0x59: {  	_ =	shalt  }
0x5a: {  	_ =	shalt  }
0x5b: {  	_ =	shalt  }
0x5c: {  	_ =	shalt  }
0x5d: {  	_ =	shalt  }
0x5e: {  	_ =	shalt  }
0x5f: {  	_ =	shalt  }
0x60: {  	_ =	shalt  }
0x61: {  	_ =	shalt  }
0x62: {  	_ =	shalt  }
0x63: {  	_ =	shalt  }
0x64: {  	_ =	shalt  }
0x65: {  	_ =	shalt  }
0x66: {  	_ =	shalt  }
0x67: {  	_ =	shalt  }
0x68: {  	_ =	shalt  }
0x69: {  	_ =	shalt  }
0x6a: {  	_ =	shalt  }
0x6b: {  	_ =	shalt  }
0x6c: {  	_ =	shalt  }
0x6d: {  	_ =	shalt  }
0x6e: {  	_ =	shalt  }
0x6f: {  	_ =	shalt  }
0x70: {  	_ =	shalt  }
0x71: {  	_ =	shalt  }
0x72: {  	_ =	shalt  }
0x73: {  	_ =	shalt  }
0x74: {  	_ =	shalt  }
0x75: {  	_ =	shalt  }
0x76: {  	_ =	shalt  }
0x77: {  	_ =	shalt  }
0x78: {  	_ =	shalt  }
0x79: {  	_ =	shalt  }
0x7a: {  	_ =	shalt  }
0x7b: {  	_ =	shalt  }
0x7c: {  	_ =	shalt  }
0x7d: {  	_ =	shalt  }
0x7e: {  	_ =	shalt  }
0x7f: {  	_ =	shalt  }
0x80: {  	_ =	shalt  }
0x81: {  	_ =	shalt  }
0x82: {  	_ =	shalt  }
0x83: {  	_ =	shalt  }
0x84: {  	_ =	shalt  }
0x85: {  	_ =	shalt  }
0x86: {  	_ =	shalt  }
0x87: {  	_ =	shalt  }
.Lfunc_end0:
.L_simem_size_0:
called_computation_lowered:
.L_overlay_start_0:
0x88: {  	s2 =	sld [smem:$0x3FD9]  }
0x89: {  	s3 =	sld [smem:$0x3FFE];
	_ =	sdelay $0x1  }
0x8a: {  	s1 =	srdreg.scid  }
0x8b: {  	s0 =	sand.u32 $0x1, s1  }
0x8c: {  	s17 =	sshll.u32 s0, $0xA;
	s2 =	sadd.s32 s3, s2  }
0x8d: {  	s2 =	sadd.s32 s2, s17  }
0x8e: {  	[smem:$0x3FC6] =	sst s2  }
0x8f: {  	_ = 	snop  }
0x90: {  	s2 =	sld [smem:$0x3FD0];
	(tm) =	ssettm $0x1  }
0x91: {  	s18 =	sld [smem:$0x3FFB];
	_ =	sdelay $0x3  }
0x92: {  	_ =	strace s18  }
0x93: {  	s3 =	sld [smem:$0x3FFC];
	_ =	sdelay $0x3  }
0x94: {  	_ =	strace s3  }
0x95: {  	s3 =	sld [smem:$0x3FFD];
	_ =	sdelay $0x3  }
0x96: {  	_ =	strace s3  }
0x97: {  	_ =	strace $0x8FFFFFFF  }
0x98: {  	s19 =	sld [smem:$0x3FDB];
	_ =	sdelay $0x1  }
0x99: {  	s4 =	simm.s32 $_scs_section_size  }
0x9a: {  	s5 =	simm.s32 $_size__tile_overlayer_lowered;
	s6 =	simm.s32 $_tile_overlayer_lowered  }
0x9b: {  	s22 =	simm.s32 $0x1BFF;
	s21 =	sshll.u32 s6, $0x1;
	s3 =	sadd.s32 s4, s19  }
0x9c: {  	s7 =	simm.s32 $0x0;
	s20 =	sshll.u32 s5, $0x1;
	s5 =	sadd.s32 s21, s3  }
0x9d: {  	[timem:s7], [sflag:s22] =	dma.local [hbm:s5], s20  }
0x9e: {  	_ =	swait.ge [sflag:s22], s20  }
0x9f: {  	s4 =	ssub.s32 $0x0, s20;
	[sflag:s22] =	ssyncset.done $0x0  }
0xa0: {  	[sflag:s22] =	ssyncadd.s32 s4;
	_ =	sdelay $0x1  }
0xa1: {  	s23 =	simm.s32 $0x1B8B  }
0xa2: {  	_ =	swait.ge [sflag:s23], $0x1  }
0xa3: {  	[sflag:s23] =	ssyncset.done $0x0  }
0xa4: {  	s25 =	simm.s32 $0x1B8E;
	s24 =	sld [smem:$0x3FFE];
	[sflag:s23] =	ssyncadd.s32 $0xFFFFFFFF  }
0xa5: {  	s26 =	simm.s32 $execute0_lowered;
	[smem:$0x3FD2] =	sst s25  }
0xa6: {  	s5 =	sshll.u32 s26, $0x1;
	_ =	strace $0x80000046;
	[dreg:$0x1] =	wrdreg $0xFFFFFFFF  }
0xa7: {  	s28 =	simm.s32 $_size_execute0_lowered;
	s3 =	sadd.s32 s3, s5;
	[dreg:$0x0] =	wrdreg $0x0  }
0xa8: {  	s5 =	sshll.u32 s28, $0x1;
	[dreg:$0x2] =	wrdreg s3  }
0xa9: {  	[dreg:$0x3] =	wrdreg s5  }
0xaa: {  	[dreg:$0x4] =	wrdreg $0xC0  }
0xab: {  	_ =	task [dreg:s7], $0x5FFFF  }
0xac: {  	[dreg:$0x1] =	wrdreg $0xFFFFFFFF  }
0xad: {  	[dreg:$0x0] =	wrdreg $0x60  }
0xae: {  	[dreg:$0x2] =	wrdreg s24  }
0xaf: {  	[dreg:$0x3] =	wrdreg s2  }
0xb0: {  	[dreg:$0x4] =	wrdreg $0x9  }
0xb1: {  	_ =	task.clear_ibuf [dreg:s7], $0x5FFFF;
	_ =	strace $0x90000046  }
0xb2: {  	s29 =	simm.s32 $0x9;
	_ =	strace $0x80000048  }
0xb3: {  	_ =	swait.ge [sflag:s29], $0x1  }
0xb4: {  	[sflag:s29] =	ssyncadd.s32 $0xFFFFFFFF  }
0xb5: {  	_ =	strace $0x90000048  }
0xb6: {  	_ =	sfence  }
0xb7: {  	s30 =	sld [smem:$0x0];
	_ =	sdelay $0x2  }
0xb8: {  	s31 =	sshll.u32 s1, $0xD;
	s1 =	sshrl.u32 s1, $0x2  }
0xb9: {  	s3 =	sand.u32 $0x4000, s31;
	s1 =	sadd.s32 s1, s30  }
0xba: {  	s0 =	sor.u32 s3, s0;
	s1 =	sshll.u32 s1, $0x11  }
0xbb: {  	s0 =	sor.u32 s1, s0  }
0xbc: {  	s0 =	sadd.s32 $0x8F2B, s0  }
0xbd: {  	[sflag:s0] =	ssyncadd.remote.s32 $0x1  }
0xbe: {  	_ =	sfence.sel $0xFFFF  }
0xbf: {  	[dreg:$0x0] =	wrdreg $0xFFFFFFFF;
	(pc) =	sbr.abs _section_cstart, $3  }
0xc0: {  	[dreg:$0x1] =	wrdreg $0xFFFFFFFF  }
0xc1: {  	_ =	task.clear_ibuf [dreg:s7], $0x2FFFF;
	_ =	strace $0x9FFFFFFF  }
0xc2: {  	(tm) =	ssettm $0x7FFFFFFF  }
0xc3: {  	_ =	shalt  }
tec
execute0_lowered:
.L_overlay_start_1:
0x0: {  	(tag) =	ssettag $0x1  }
0x1: {  	s0 =	srdreg.scid;
	s2 =	stileid.u32  }
0x2: {  	s0 =	sand.u32 $0x1, s0;
	s2 =	sshll.u32 s2, $0x1  }
0x3: {  	s1 =	rddreg [dreg:$0x0];
	s4 =	sor.u32 s0, s2  }
0x4: {  	s3 =	rddreg [dreg:$0x1];
	s5 =	smul.u32 $0x320, s4  }
0x5: {  	s2 =	simm.s32 $0x0;
	s0 =	ssub.s32 $0x2, s0;
	s6 =	smul.u32 $0xC8000, s4  }
0x6: {  	[smem:$0x7FF] =	sst s2;
	s4 =	smul.u32 $0x19000, s4;
	s24 =	sshrl.u32 s0, $0x1  }
0x7: {  	s7 =	sadd.s32 $0x802A00, s1;
	_ =	strace $0x80000047;
	s0 =	ssub.s32 s0, s24  }
0x8: {  	s3 =	sadd.s32 s3, s5;
	s26 =	sshrl.u32 s6, $0x3;
	s6 =	sadd.s32 s7, s4  }
0x9: {  	s0 =	smax.u32 s0, $0x1;
	[dreg:$0x3] =	wrdreg s3;
	s8 =	sadd.s32 s7, s26  }
0xa: {  	[dreg:$0x4] =	wrdreg s6;
	s3 =	sadd.s32 $0xA00, s1;
	p1 =	sne.s32 s0, $0x1  }
0xb: {  	s1 =	sadd.s32 $0xFFFFFFFF, s0;
	s9 =	sadd.s32 $0x1400, s8;
	s0 =	rddreg [dreg:$0x3]  }
0xc: {  	s10 =	sadd.s32 $0x2800, s8;
	[dreg:$0x5] =	wrdreg s9  }
0xd: {  	s11 =	sadd.s32 $0x3C00, s8;
	[dreg:$0x6] =	wrdreg s10  }
0xe: {  	s12 =	sadd.s32 $0x5000, s8;
	[dreg:$0x7] =	wrdreg s11  }
0xf: {  	s13 =	sadd.s32 $0x6400, s8;
	[dreg:$0x8] =	wrdreg s12  }
0x10: {  	s14 =	sadd.s32 $0x7800, s8;
	[dreg:$0x9] =	wrdreg s13  }
0x11: {  	s15 =	sadd.s32 $0x8C00, s8;
	[dreg:$0xa] =	wrdreg s14  }
0x12: {  	s16 =	sadd.s32 $0xA000, s8;
	[dreg:$0xb] =	wrdreg s15  }
0x13: {  	s17 =	sadd.s32 $0xB400, s8;
	[dreg:$0xc] =	wrdreg s16  }
0x14: {  	s31 =	simm.s32 $0x5;
	s18 =	sadd.s32 $0xC800, s8;
	[dreg:$0xd] =	wrdreg s17  }
0x15: {  	s30 =	simm.s32 $0x280;
	s19 =	sadd.s32 $0xDC00, s8;
	[dreg:$0xe] =	wrdreg s18  }
0x16: {  	s29 =	simm.s32 $0x3C0;
	s20 =	sadd.s32 $0xF000, s8;
	[dreg:$0xf] =	wrdreg s19  }
0x17: {  	s28 =	simm.s32 $0x500;
	s21 =	sadd.s32 $0x10400, s8;
	[dreg:$0x10] =	wrdreg s20  }
0x18: {  	p0 =	por $0x0, $0x0;
	s5 =	sadd.s32 $0x11800, s8;
	[dreg:$0x11] =	wrdreg s21  }
0x19: {  	s24 =	simm.s32 $0x8C0;
	s22 =	sadd.s32 $0x12C00, s8;
	[dreg:$0x12] =	wrdreg s5  }
0x1a: {  	s7 =	simm.s32 $0xB900;
	s23 =	sadd.s32 $0x14000, s8;
	[dreg:$0x13] =	wrdreg s22  }
0x1b: {  	s6 =	simm.s32 $0x4;
	s25 =	sadd.s32 $0x15400, s8;
	[dreg:$0x14] =	wrdreg s23  }
0x1c: {  	s26 =	sadd.s32 $0x16800, s8;
	s4 =	sadd.s32 $0x17C00, s8;
	[dreg:$0x15] =	wrdreg s25  }
0x1d: {  	s8 =	simm.s32 $0x1900;
	[dreg:$0x16] =	wrdreg s26;
	s11 =	simm.s32 $0x140  }
0x1e: {  	s10 =	simm.s32 $0x1;
	s5 =	simm.s32 $0x3;
	s9 =	simm.s32 $0x2  }
.Ltmp0:
0x1f: {  	s26 =	simm.s32 $0x640;
	s25 =	simm.s32 $0x780;
	(pc) =	sbr.rel @!p1 .LBB2_3-.Ltmp0, $4  }
0x20: {  	s23 =	simm.s32 $0xA00;
	s22 =	simm.s32 $0xB40;
	s21 =	simm.s32 $0xC80  }
0x21: {  	s20 =	simm.s32 $0xDC0;
	s19 =	simm.s32 $0xF00;
	s18 =	simm.s32 $0x1040  }
0x22: {  	s17 =	simm.s32 $0x1180;
	s16 =	simm.s32 $0x12C0;
	s15 =	simm.s32 $0x1400  }
0x23: {  	s14 =	simm.s32 $0x1540;
	s13 =	simm.s32 $0x1680;
	s12 =	simm.s32 $0x17C0  }
0x24: {  	[tilespmem:s2], [sflag:$0x5] =	stream.linear.gather [hbm4b:s0+s2], $0x1900, $0x38;
	[tilespmem:$0x15900] =	vst v63  }
0x25: {  	_ =	swait.ge [sflag:s31], $0x1900  }
0x26: {  	[sflag:s31] =	ssyncset.done $0x0  }
0x27: {  	[sflag:s31] =	ssyncadd.s32 $0xFFFFE700  }
0x28: {  	[tilespmem:s8], [sflag:$0x1] =	stream.indirect.gather [hbm4b:s3+s11], $0x80, s2, s11, $0xb8;
	[tilespmem:$0x15900] =	vst v63  }
0x29: {  	_ = 	snop  }
0x2a: {  	[tilespmem:s7], [sflag:$0x2] =	stream.indirect.gather [hbm4b:s3+s11], $0x80, s11, s11, $0xb8;
	[tilespmem:$0x15900] =	vst v63  }
0x2b: {  	_ =	swait.ge [sflag:s10], $0xA000  }
0x2c: {  	[sflag:s10] =	ssyncset.done $0x0  }
0x2d: {  	s0 =	rddreg [dreg:$0x4];
	[sflag:s10] =	ssyncadd.s32 $0xFFFF6000  }
0x2e: {  	[hbm4b:s0+s2] =	stream.linear.scatter [tilespmem:s8], [sflag:$0x3], $0xA000, $0x38;
	[tilespmem:$0x15900] =	vst v63  }
0x2f: {  	_ =	swait.ge [sflag:s5], $0xA000  }
0x30: {  	[sflag:s5] =	ssyncset.done $0x0  }
0x31: {  	[sflag:s5] =	ssyncadd.s32 $0xFFFF6000  }
0x32: {  	[tilespmem:s8], [sflag:$0x1] =	stream.indirect.gather [hbm4b:s3+s11], $0x80, s30, s11, $0xb8;
	[tilespmem:$0x15900] =	vst v63  }
0x33: {  	_ =	swait.ge [sflag:s9], $0xA000  }
0x34: {  	[sflag:s9] =	ssyncset.done $0x0  }
0x35: {  	s0 =	rddreg [dreg:$0x5];
	[sflag:s9] =	ssyncadd.s32 $0xFFFF6000  }
0x36: {  	[hbm4b:s0+s2] =	stream.linear.scatter [tilespmem:s7], [sflag:$0x4], $0xA000, $0x38;
	[tilespmem:$0x15900] =	vst v63  }
0x37: {  	_ =	swait.ge [sflag:s6], $0xA000  }
0x38: {  	[sflag:s6] =	ssyncset.done $0x0  }
0x39: {  	[sflag:s6] =	ssyncadd.s32 $0xFFFF6000  }
0x3a: {  	[tilespmem:s7], [sflag:$0x2] =	stream.indirect.gather [hbm4b:s3+s11], $0x80, s29, s11, $0xb8;
	[tilespmem:$0x15900] =	vst v63  }
0x3b: {  	_ =	swait.ge [sflag:s10], $0xA000  }
0x3c: {  	[sflag:s10] =	ssyncset.done $0x0  }
0x3d: {  	s0 =	rddreg [dreg:$0x6];
	[sflag:s10] =	ssyncadd.s32 $0xFFFF6000  }
0x3e: {  	[hbm4b:s0+s2] =	stream.linear.scatter [tilespmem:s8], [sflag:$0x3], $0xA000, $0x38;
	[tilespmem:$0x15900] =	vst v63  }
0x3f: {  	_ =	swait.ge [sflag:s5], $0xA000  }
0x40: {  	[sflag:s5] =	ssyncset.done $0x0  }
0x41: {  	[sflag:s5] =	ssyncadd.s32 $0xFFFF6000  }
0x42: {  	[tilespmem:s8], [sflag:$0x1] =	stream.indirect.gather [hbm4b:s3+s11], $0x80, s28, s11, $0xb8;
	[tilespmem:$0x15900] =	vst v63  }
0x43: {  	_ =	swait.ge [sflag:s9], $0xA000  }
0x44: {  	[sflag:s9] =	ssyncset.done $0x0  }
0x45: {  	s0 =	rddreg [dreg:$0x7];
	[sflag:s9] =	ssyncadd.s32 $0xFFFF6000  }
0x46: {  	[hbm4b:s0+s2] =	stream.linear.scatter [tilespmem:s7], [sflag:$0x4], $0xA000, $0x38;
	[tilespmem:$0x15900] =	vst v63  }
0x47: {  	_ =	swait.ge [sflag:s6], $0xA000  }
0x48: {  	[sflag:s6] =	ssyncset.done $0x0  }
0x49: {  	[sflag:s6] =	ssyncadd.s32 $0xFFFF6000  }
0x4a: {  	[tilespmem:s7], [sflag:$0x2] =	stream.indirect.gather [hbm4b:s3+s11], $0x80, s26, s11, $0xb8;
	[tilespmem:$0x15900] =	vst v63  }
0x4b: {  	_ =	swait.ge [sflag:s10], $0xA000  }
0x4c: {  	[sflag:s10] =	ssyncset.done $0x0  }
0x4d: {  	s0 =	rddreg [dreg:$0x8];
	[sflag:s10] =	ssyncadd.s32 $0xFFFF6000  }
0x4e: {  	[hbm4b:s0+s2] =	stream.linear.scatter [tilespmem:s8], [sflag:$0x3], $0xA000, $0x38;
	[tilespmem:$0x15900] =	vst v63  }
0x4f: {  	_ =	swait.ge [sflag:s5], $0xA000  }
0x50: {  	[sflag:s5] =	ssyncset.done $0x0  }
0x51: {  	[sflag:s5] =	ssyncadd.s32 $0xFFFF6000  }
0x52: {  	[tilespmem:s8], [sflag:$0x1] =	stream.indirect.gather [hbm4b:s3+s11], $0x80, s25, s11, $0xb8;
	[tilespmem:$0x15900] =	vst v63  }
0x53: {  	_ =	swait.ge [sflag:s9], $0xA000  }
0x54: {  	[sflag:s9] =	ssyncset.done $0x0  }
0x55: {  	s0 =	rddreg [dreg:$0x9];
	[sflag:s9] =	ssyncadd.s32 $0xFFFF6000  }
0x56: {  	[hbm4b:s0+s2] =	stream.linear.scatter [tilespmem:s7], [sflag:$0x4], $0xA000, $0x38;
	[tilespmem:$0x15900] =	vst v63  }
0x57: {  	_ =	swait.ge [sflag:s6], $0xA000  }
0x58: {  	[sflag:s6] =	ssyncset.done $0x0  }
0x59: {  	[sflag:s6] =	ssyncadd.s32 $0xFFFF6000  }
0x5a: {  	[tilespmem:s7], [sflag:$0x2] =	stream.indirect.gather [hbm4b:s3+s11], $0x80, s24, s11, $0xb8;
	[tilespmem:$0x15900] =	vst v63  }
0x5b: {  	_ =	swait.ge [sflag:s10], $0xA000  }
0x5c: {  	[sflag:s10] =	ssyncset.done $0x0  }
0x5d: {  	s0 =	rddreg [dreg:$0xa];
	[sflag:s10] =	ssyncadd.s32 $0xFFFF6000  }
0x5e: {  	[hbm4b:s0+s2] =	stream.linear.scatter [tilespmem:s8], [sflag:$0x3], $0xA000, $0x38;
	[tilespmem:$0x15900] =	vst v63  }
0x5f: {  	_ =	swait.ge [sflag:s5], $0xA000  }
0x60: {  	[sflag:s5] =	ssyncset.done $0x0  }
0x61: {  	[sflag:s5] =	ssyncadd.s32 $0xFFFF6000  }
0x62: {  	[tilespmem:s8], [sflag:$0x1] =	stream.indirect.gather [hbm4b:s3+s11], $0x80, s23, s11, $0xb8;
	[tilespmem:$0x15900] =	vst v63  }
0x63: {  	_ =	swait.ge [sflag:s9], $0xA000  }
0x64: {  	[sflag:s9] =	ssyncset.done $0x0  }
0x65: {  	s0 =	rddreg [dreg:$0xb];
	[sflag:s9] =	ssyncadd.s32 $0xFFFF6000  }
0x66: {  	[hbm4b:s0+s2] =	stream.linear.scatter [tilespmem:s7], [sflag:$0x4], $0xA000, $0x38;
	[tilespmem:$0x15900] =	vst v63  }
0x67: {  	_ =	swait.ge [sflag:s6], $0xA000  }
0x68: {  	[sflag:s6] =	ssyncset.done $0x0  }
0x69: {  	[sflag:s6] =	ssyncadd.s32 $0xFFFF6000  }
0x6a: {  	[tilespmem:s7], [sflag:$0x2] =	stream.indirect.gather [hbm4b:s3+s11], $0x80, s22, s11, $0xb8;
	[tilespmem:$0x15900] =	vst v63  }
0x6b: {  	_ =	swait.ge [sflag:s10], $0xA000  }
0x6c: {  	[sflag:s10] =	ssyncset.done $0x0  }
0x6d: {  	s0 =	rddreg [dreg:$0xc];
	[sflag:s10] =	ssyncadd.s32 $0xFFFF6000  }
0x6e: {  	[hbm4b:s0+s2] =	stream.linear.scatter [tilespmem:s8], [sflag:$0x3], $0xA000, $0x38;
	[tilespmem:$0x15900] =	vst v63  }
0x6f: {  	_ =	swait.ge [sflag:s5], $0xA000  }
0x70: {  	[sflag:s5] =	ssyncset.done $0x0  }
0x71: {  	[sflag:s5] =	ssyncadd.s32 $0xFFFF6000  }
0x72: {  	[tilespmem:s8], [sflag:$0x1] =	stream.indirect.gather [hbm4b:s3+s11], $0x80, s21, s11, $0xb8;
	[tilespmem:$0x15900] =	vst v63  }
0x73: {  	_ =	swait.ge [sflag:s9], $0xA000  }
0x74: {  	[sflag:s9] =	ssyncset.done $0x0  }
0x75: {  	s0 =	rddreg [dreg:$0xd];
	[sflag:s9] =	ssyncadd.s32 $0xFFFF6000  }
0x76: {  	[hbm4b:s0+s2] =	stream.linear.scatter [tilespmem:s7], [sflag:$0x4], $0xA000, $0x38;
	[tilespmem:$0x15900] =	vst v63  }
0x77: {  	_ =	swait.ge [sflag:s6], $0xA000  }
0x78: {  	[sflag:s6] =	ssyncset.done $0x0  }
0x79: {  	[sflag:s6] =	ssyncadd.s32 $0xFFFF6000  }
0x7a: {  	[tilespmem:s7], [sflag:$0x2] =	stream.indirect.gather [hbm4b:s3+s11], $0x80, s20, s11, $0xb8;
	[tilespmem:$0x15900] =	vst v63  }
0x7b: {  	_ =	swait.ge [sflag:s10], $0xA000  }
0x7c: {  	[sflag:s10] =	ssyncset.done $0x0  }
0x7d: {  	s0 =	rddreg [dreg:$0xe];
	[sflag:s10] =	ssyncadd.s32 $0xFFFF6000  }
0x7e: {  	[hbm4b:s0+s2] =	stream.linear.scatter [tilespmem:s8], [sflag:$0x3], $0xA000, $0x38;
	[tilespmem:$0x15900] =	vst v63  }
0x7f: {  	_ =	swait.ge [sflag:s5], $0xA000  }
0x80: {  	[sflag:s5] =	ssyncset.done $0x0  }
0x81: {  	[sflag:s5] =	ssyncadd.s32 $0xFFFF6000  }
0x82: {  	[tilespmem:s8], [sflag:$0x1] =	stream.indirect.gather [hbm4b:s3+s11], $0x80, s19, s11, $0xb8;
	[tilespmem:$0x15900] =	vst v63  }
0x83: {  	_ =	swait.ge [sflag:s9], $0xA000  }
0x84: {  	[sflag:s9] =	ssyncset.done $0x0  }
0x85: {  	s0 =	rddreg [dreg:$0xf];
	[sflag:s9] =	ssyncadd.s32 $0xFFFF6000  }
0x86: {  	[hbm4b:s0+s2] =	stream.linear.scatter [tilespmem:s7], [sflag:$0x4], $0xA000, $0x38;
	[tilespmem:$0x15900] =	vst v63  }
0x87: {  	_ =	swait.ge [sflag:s6], $0xA000  }
0x88: {  	[sflag:s6] =	ssyncset.done $0x0  }
0x89: {  	[sflag:s6] =	ssyncadd.s32 $0xFFFF6000  }
0x8a: {  	[tilespmem:s7], [sflag:$0x2] =	stream.indirect.gather [hbm4b:s3+s11], $0x80, s18, s11, $0xb8;
	[tilespmem:$0x15900] =	vst v63  }
0x8b: {  	_ =	swait.ge [sflag:s10], $0xA000  }
0x8c: {  	[sflag:s10] =	ssyncset.done $0x0  }
0x8d: {  	s0 =	rddreg [dreg:$0x10];
	[sflag:s10] =	ssyncadd.s32 $0xFFFF6000  }
0x8e: {  	[hbm4b:s0+s2] =	stream.linear.scatter [tilespmem:s8], [sflag:$0x3], $0xA000, $0x38;
	[tilespmem:$0x15900] =	vst v63  }
0x8f: {  	_ =	swait.ge [sflag:s5], $0xA000  }
0x90: {  	[sflag:s5] =	ssyncset.done $0x0  }
0x91: {  	[sflag:s5] =	ssyncadd.s32 $0xFFFF6000  }
0x92: {  	[tilespmem:s8], [sflag:$0x1] =	stream.indirect.gather [hbm4b:s3+s11], $0x80, s17, s11, $0xb8;
	[tilespmem:$0x15900] =	vst v63  }
0x93: {  	_ =	swait.ge [sflag:s9], $0xA000  }
0x94: {  	[sflag:s9] =	ssyncset.done $0x0  }
0x95: {  	s0 =	rddreg [dreg:$0x11];
	[sflag:s9] =	ssyncadd.s32 $0xFFFF6000  }
0x96: {  	[hbm4b:s0+s2] =	stream.linear.scatter [tilespmem:s7], [sflag:$0x4], $0xA000, $0x38;
	[tilespmem:$0x15900] =	vst v63  }
0x97: {  	_ =	swait.ge [sflag:s6], $0xA000  }
0x98: {  	[sflag:s6] =	ssyncset.done $0x0  }
0x99: {  	[sflag:s6] =	ssyncadd.s32 $0xFFFF6000  }
0x9a: {  	[tilespmem:s7], [sflag:$0x2] =	stream.indirect.gather [hbm4b:s3+s11], $0x80, s16, s11, $0xb8;
	[tilespmem:$0x15900] =	vst v63  }
0x9b: {  	_ =	swait.ge [sflag:s10], $0xA000  }
0x9c: {  	[sflag:s10] =	ssyncset.done $0x0  }
0x9d: {  	s0 =	rddreg [dreg:$0x12];
	[sflag:s10] =	ssyncadd.s32 $0xFFFF6000  }
0x9e: {  	[hbm4b:s0+s2] =	stream.linear.scatter [tilespmem:s8], [sflag:$0x3], $0xA000, $0x38;
	[tilespmem:$0x15900] =	vst v63  }
0x9f: {  	_ =	swait.ge [sflag:s5], $0xA000  }
0xa0: {  	[sflag:s5] =	ssyncset.done $0x0  }
0xa1: {  	[sflag:s5] =	ssyncadd.s32 $0xFFFF6000  }
0xa2: {  	[tilespmem:s8], [sflag:$0x1] =	stream.indirect.gather [hbm4b:s3+s11], $0x80, s15, s11, $0xb8;
	[tilespmem:$0x15900] =	vst v63  }
0xa3: {  	_ =	swait.ge [sflag:s9], $0xA000  }
0xa4: {  	[sflag:s9] =	ssyncset.done $0x0  }
0xa5: {  	s0 =	rddreg [dreg:$0x13];
	[sflag:s9] =	ssyncadd.s32 $0xFFFF6000  }
0xa6: {  	[hbm4b:s0+s2] =	stream.linear.scatter [tilespmem:s7], [sflag:$0x4], $0xA000, $0x38;
	[tilespmem:$0x15900] =	vst v63  }
0xa7: {  	_ =	swait.ge [sflag:s6], $0xA000  }
0xa8: {  	[sflag:s6] =	ssyncset.done $0x0  }
0xa9: {  	[sflag:s6] =	ssyncadd.s32 $0xFFFF6000  }
0xaa: {  	[tilespmem:s7], [sflag:$0x2] =	stream.indirect.gather [hbm4b:s3+s11], $0x80, s14, s11, $0xb8;
	[tilespmem:$0x15900] =	vst v63  }
0xab: {  	_ =	swait.ge [sflag:s10], $0xA000  }
0xac: {  	[sflag:s10] =	ssyncset.done $0x0  }
0xad: {  	s0 =	rddreg [dreg:$0x14];
	[sflag:s10] =	ssyncadd.s32 $0xFFFF6000  }
0xae: {  	[hbm4b:s0+s2] =	stream.linear.scatter [tilespmem:s8], [sflag:$0x3], $0xA000, $0x38;
	[tilespmem:$0x15900] =	vst v63  }
0xaf: {  	_ =	swait.ge [sflag:s5], $0xA000  }
0xb0: {  	[sflag:s5] =	ssyncset.done $0x0  }
0xb1: {  	[sflag:s5] =	ssyncadd.s32 $0xFFFF6000  }
0xb2: {  	[tilespmem:s8], [sflag:$0x1] =	stream.indirect.gather [hbm4b:s3+s11], $0x80, s13, s11, $0xb8;
	[tilespmem:$0x15900] =	vst v63  }
0xb3: {  	_ =	swait.ge [sflag:s9], $0xA000  }
0xb4: {  	[sflag:s9] =	ssyncset.done $0x0  }
0xb5: {  	s0 =	rddreg [dreg:$0x15];
	[sflag:s9] =	ssyncadd.s32 $0xFFFF6000  }
0xb6: {  	[hbm4b:s0+s2] =	stream.linear.scatter [tilespmem:s7], [sflag:$0x4], $0xA000, $0x38;
	[tilespmem:$0x15900] =	vst v63  }
0xb7: {  	_ =	swait.ge [sflag:s6], $0xA000  }
0xb8: {  	[sflag:s6] =	ssyncset.done $0x0  }
0xb9: {  	[sflag:s6] =	ssyncadd.s32 $0xFFFF6000  }
0xba: {  	[tilespmem:s7], [sflag:$0x2] =	stream.indirect.gather [hbm4b:s3+s11], $0x80, s12, s11, $0xb8;
	[tilespmem:$0x15900] =	vst v63  }
0xbb: {  	_ =	swait.ge [sflag:s10], $0xA000  }
0xbc: {  	[sflag:s10] =	ssyncset.done $0x0  }
0xbd: {  	s0 =	rddreg [dreg:$0x16];
	[sflag:s10] =	ssyncadd.s32 $0xFFFF6000  }
0xbe: {  	[hbm4b:s0+s2] =	stream.linear.scatter [tilespmem:s8], [sflag:$0x3], $0xA000, $0x38;
	[tilespmem:$0x15900] =	vst v63  }
0xbf: {  	_ =	swait.ge [sflag:s9], $0xA000  }
0xc0: {  	[sflag:s9] =	ssyncset.done $0x0  }
0xc1: {  	p1 =	sne.s32 s1, $0x1;
	[sflag:s9] =	ssyncadd.s32 $0xFFFF6000  }
0xc2: {  	[hbm4b:s4+s2] =	stream.linear.scatter [tilespmem:s7], [sflag:$0x4], $0xA000, $0x38;
	[tilespmem:$0x15900] =	vst v63  }
.Ltmp1:
0xc3: {  	_ =	swait.ge [sflag:s5], $0xA000;
	(pc) =	sbr.rel @!p1 .LBB2_3-.Ltmp1, $4  }
0xc4: {  	[sflag:s5] =	ssyncset.done $0x0  }
0xc5: {  	[sflag:s5] =	ssyncadd.s32 $0xFFFF6000  }
0xc6: {  	s1 =	sadd.s32 $0xFFFFFFFF, s1;
	_ =	swait.ge [sflag:s6], $0xA000  }
0xc7: {  	p0 =	por $0x1, $0x1;
	s0 =	rddreg [dreg:$0x3];
	[sflag:s6] =	ssyncset.done $0x0  }
.LBB2_2:
0xc8: {  	[sflag:s6] =	ssyncadd.s32 $0xFFFF6000  }
0xc9: {  	[tilespmem:s2], [sflag:$0x5] =	stream.linear.gather [hbm4b:s0+s2], $0x1900, $0x38;
	[tilespmem:$0x15900] =	vst v63  }
0xca: {  	_ =	swait.ge [sflag:s31], $0x1900  }
0xcb: {  	[sflag:s31] =	ssyncset.done $0x0  }
0xcc: {  	[sflag:s31] =	ssyncadd.s32 $0xFFFFE700  }
0xcd: {  	[tilespmem:s8], [sflag:$0x1] =	stream.indirect.gather [hbm4b:s3+s11], $0x80, s2, s11, $0xb8;
	[tilespmem:$0x15900] =	vst v63  }
0xce: {  	_ = 	snop  }
0xcf: {  	[tilespmem:s7], [sflag:$0x2] =	stream.indirect.gather [hbm4b:s3+s11], $0x80, s11, s11, $0xb8;
	[tilespmem:$0x15900] =	vst v63  }
0xd0: {  	_ =	swait.ge [sflag:s10], $0xA000  }
0xd1: {  	[sflag:s10] =	ssyncset.done $0x0  }
0xd2: {  	s0 =	rddreg [dreg:$0x4];
	[sflag:s10] =	ssyncadd.s32 $0xFFFF6000  }
0xd3: {  	[hbm4b:s0+s2] =	stream.linear.scatter [tilespmem:s8], [sflag:$0x3], $0xA000, $0x38;
	[tilespmem:$0x15900] =	vst v63  }
0xd4: {  	_ =	swait.ge [sflag:s5], $0xA000  }
0xd5: {  	[sflag:s5] =	ssyncset.done $0x0  }
0xd6: {  	[sflag:s5] =	ssyncadd.s32 $0xFFFF6000  }
0xd7: {  	[tilespmem:s8], [sflag:$0x1] =	stream.indirect.gather [hbm4b:s3+s11], $0x80, s30, s11, $0xb8;
	[tilespmem:$0x15900] =	vst v63  }
0xd8: {  	_ =	swait.ge [sflag:s9], $0xA000  }
0xd9: {  	[sflag:s9] =	ssyncset.done $0x0  }
0xda: {  	s0 =	rddreg [dreg:$0x5];
	[sflag:s9] =	ssyncadd.s32 $0xFFFF6000  }
0xdb: {  	[hbm4b:s0+s2] =	stream.linear.scatter [tilespmem:s7], [sflag:$0x4], $0xA000, $0x38;
	[tilespmem:$0x15900] =	vst v63  }
0xdc: {  	_ =	swait.ge [sflag:s6], $0xA000  }
0xdd: {  	[sflag:s6] =	ssyncset.done $0x0  }
0xde: {  	[sflag:s6] =	ssyncadd.s32 $0xFFFF6000  }
0xdf: {  	[tilespmem:s7], [sflag:$0x2] =	stream.indirect.gather [hbm4b:s3+s11], $0x80, s29, s11, $0xb8;
	[tilespmem:$0x15900] =	vst v63  }
0xe0: {  	_ =	swait.ge [sflag:s10], $0xA000  }
0xe1: {  	[sflag:s10] =	ssyncset.done $0x0  }
0xe2: {  	s0 =	rddreg [dreg:$0x6];
	[sflag:s10] =	ssyncadd.s32 $0xFFFF6000  }
0xe3: {  	[hbm4b:s0+s2] =	stream.linear.scatter [tilespmem:s8], [sflag:$0x3], $0xA000, $0x38;
	[tilespmem:$0x15900] =	vst v63  }
0xe4: {  	_ =	swait.ge [sflag:s5], $0xA000  }
0xe5: {  	[sflag:s5] =	ssyncset.done $0x0  }
0xe6: {  	[sflag:s5] =	ssyncadd.s32 $0xFFFF6000  }
0xe7: {  	[tilespmem:s8], [sflag:$0x1] =	stream.indirect.gather [hbm4b:s3+s11], $0x80, s28, s11, $0xb8;
	[tilespmem:$0x15900] =	vst v63  }
0xe8: {  	_ =	swait.ge [sflag:s9], $0xA000  }
0xe9: {  	[sflag:s9] =	ssyncset.done $0x0  }
0xea: {  	s0 =	rddreg [dreg:$0x7];
	[sflag:s9] =	ssyncadd.s32 $0xFFFF6000  }
0xeb: {  	[hbm4b:s0+s2] =	stream.linear.scatter [tilespmem:s7], [sflag:$0x4], $0xA000, $0x38;
	[tilespmem:$0x15900] =	vst v63  }
0xec: {  	_ =	swait.ge [sflag:s6], $0xA000  }
0xed: {  	[sflag:s6] =	ssyncset.done $0x0  }
0xee: {  	[sflag:s6] =	ssyncadd.s32 $0xFFFF6000  }
0xef: {  	[tilespmem:s7], [sflag:$0x2] =	stream.indirect.gather [hbm4b:s3+s11], $0x80, s26, s11, $0xb8;
	[tilespmem:$0x15900] =	vst v63  }
0xf0: {  	_ =	swait.ge [sflag:s10], $0xA000  }
0xf1: {  	[sflag:s10] =	ssyncset.done $0x0  }
0xf2: {  	s0 =	rddreg [dreg:$0x8];
	[sflag:s10] =	ssyncadd.s32 $0xFFFF6000  }
0xf3: {  	[hbm4b:s0+s2] =	stream.linear.scatter [tilespmem:s8], [sflag:$0x3], $0xA000, $0x38;
	[tilespmem:$0x15900] =	vst v63  }
0xf4: {  	_ =	swait.ge [sflag:s5], $0xA000  }
0xf5: {  	[sflag:s5] =	ssyncset.done $0x0  }
0xf6: {  	[sflag:s5] =	ssyncadd.s32 $0xFFFF6000  }
0xf7: {  	[tilespmem:s8], [sflag:$0x1] =	stream.indirect.gather [hbm4b:s3+s11], $0x80, s25, s11, $0xb8;
	[tilespmem:$0x15900] =	vst v63  }
0xf8: {  	_ =	swait.ge [sflag:s9], $0xA000  }
0xf9: {  	[sflag:s9] =	ssyncset.done $0x0  }
0xfa: {  	s0 =	rddreg [dreg:$0x9];
	[sflag:s9] =	ssyncadd.s32 $0xFFFF6000  }
0xfb: {  	[hbm4b:s0+s2] =	stream.linear.scatter [tilespmem:s7], [sflag:$0x4], $0xA000, $0x38;
	[tilespmem:$0x15900] =	vst v63  }
0xfc: {  	_ =	swait.ge [sflag:s6], $0xA000  }
0xfd: {  	[sflag:s6] =	ssyncset.done $0x0  }
0xfe: {  	[sflag:s6] =	ssyncadd.s32 $0xFFFF6000  }
0xff: {  	[tilespmem:s7], [sflag:$0x2] =	stream.indirect.gather [hbm4b:s3+s11], $0x80, s24, s11, $0xb8;
	[tilespmem:$0x15900] =	vst v63  }
0x100: {  	_ =	swait.ge [sflag:s10], $0xA000  }
0x101: {  	[sflag:s10] =	ssyncset.done $0x0  }
0x102: {  	s0 =	rddreg [dreg:$0xa];
	[sflag:s10] =	ssyncadd.s32 $0xFFFF6000  }
0x103: {  	[hbm4b:s0+s2] =	stream.linear.scatter [tilespmem:s8], [sflag:$0x3], $0xA000, $0x38;
	[tilespmem:$0x15900] =	vst v63  }
0x104: {  	_ =	swait.ge [sflag:s5], $0xA000  }
0x105: {  	[sflag:s5] =	ssyncset.done $0x0  }
0x106: {  	[sflag:s5] =	ssyncadd.s32 $0xFFFF6000  }
0x107: {  	[tilespmem:s8], [sflag:$0x1] =	stream.indirect.gather [hbm4b:s3+s11], $0x80, s23, s11, $0xb8;
	[tilespmem:$0x15900] =	vst v63  }
0x108: {  	_ =	swait.ge [sflag:s9], $0xA000  }
0x109: {  	[sflag:s9] =	ssyncset.done $0x0  }
0x10a: {  	s0 =	rddreg [dreg:$0xb];
	[sflag:s9] =	ssyncadd.s32 $0xFFFF6000  }
0x10b: {  	[hbm4b:s0+s2] =	stream.linear.scatter [tilespmem:s7], [sflag:$0x4], $0xA000, $0x38;
	[tilespmem:$0x15900] =	vst v63  }
0x10c: {  	_ =	swait.ge [sflag:s6], $0xA000  }
0x10d: {  	[sflag:s6] =	ssyncset.done $0x0  }
0x10e: {  	[sflag:s6] =	ssyncadd.s32 $0xFFFF6000  }
0x10f: {  	[tilespmem:s7], [sflag:$0x2] =	stream.indirect.gather [hbm4b:s3+s11], $0x80, s22, s11, $0xb8;
	[tilespmem:$0x15900] =	vst v63  }
0x110: {  	_ =	swait.ge [sflag:s10], $0xA000  }
0x111: {  	[sflag:s10] =	ssyncset.done $0x0  }
0x112: {  	s0 =	rddreg [dreg:$0xc];
	[sflag:s10] =	ssyncadd.s32 $0xFFFF6000  }
0x113: {  	[hbm4b:s0+s2] =	stream.linear.scatter [tilespmem:s8], [sflag:$0x3], $0xA000, $0x38;
	[tilespmem:$0x15900] =	vst v63  }
0x114: {  	_ =	swait.ge [sflag:s5], $0xA000  }
0x115: {  	[sflag:s5] =	ssyncset.done $0x0  }
0x116: {  	[sflag:s5] =	ssyncadd.s32 $0xFFFF6000  }
0x117: {  	[tilespmem:s8], [sflag:$0x1] =	stream.indirect.gather [hbm4b:s3+s11], $0x80, s21, s11, $0xb8;
	[tilespmem:$0x15900] =	vst v63  }
0x118: {  	_ =	swait.ge [sflag:s9], $0xA000  }
0x119: {  	[sflag:s9] =	ssyncset.done $0x0  }
0x11a: {  	s0 =	rddreg [dreg:$0xd];
	[sflag:s9] =	ssyncadd.s32 $0xFFFF6000  }
0x11b: {  	[hbm4b:s0+s2] =	stream.linear.scatter [tilespmem:s7], [sflag:$0x4], $0xA000, $0x38;
	[tilespmem:$0x15900] =	vst v63  }
0x11c: {  	_ =	swait.ge [sflag:s6], $0xA000  }
0x11d: {  	[sflag:s6] =	ssyncset.done $0x0  }
0x11e: {  	[sflag:s6] =	ssyncadd.s32 $0xFFFF6000  }
0x11f: {  	[tilespmem:s7], [sflag:$0x2] =	stream.indirect.gather [hbm4b:s3+s11], $0x80, s20, s11, $0xb8;
	[tilespmem:$0x15900] =	vst v63  }
0x120: {  	_ =	swait.ge [sflag:s10], $0xA000  }
0x121: {  	[sflag:s10] =	ssyncset.done $0x0  }
0x122: {  	s0 =	rddreg [dreg:$0xe];
	[sflag:s10] =	ssyncadd.s32 $0xFFFF6000  }
0x123: {  	[hbm4b:s0+s2] =	stream.linear.scatter [tilespmem:s8], [sflag:$0x3], $0xA000, $0x38;
	[tilespmem:$0x15900] =	vst v63  }
0x124: {  	_ =	swait.ge [sflag:s5], $0xA000  }
0x125: {  	[sflag:s5] =	ssyncset.done $0x0  }
0x126: {  	[sflag:s5] =	ssyncadd.s32 $0xFFFF6000  }
0x127: {  	[tilespmem:s8], [sflag:$0x1] =	stream.indirect.gather [hbm4b:s3+s11], $0x80, s19, s11, $0xb8;
	[tilespmem:$0x15900] =	vst v63  }
0x128: {  	_ =	swait.ge [sflag:s9], $0xA000  }
0x129: {  	[sflag:s9] =	ssyncset.done $0x0  }
0x12a: {  	s0 =	rddreg [dreg:$0xf];
	[sflag:s9] =	ssyncadd.s32 $0xFFFF6000  }
0x12b: {  	[hbm4b:s0+s2] =	stream.linear.scatter [tilespmem:s7], [sflag:$0x4], $0xA000, $0x38;
	[tilespmem:$0x15900] =	vst v63  }
0x12c: {  	_ =	swait.ge [sflag:s6], $0xA000  }
0x12d: {  	[sflag:s6] =	ssyncset.done $0x0  }
0x12e: {  	[sflag:s6] =	ssyncadd.s32 $0xFFFF6000  }
0x12f: {  	[tilespmem:s7], [sflag:$0x2] =	stream.indirect.gather [hbm4b:s3+s11], $0x80, s18, s11, $0xb8;
	[tilespmem:$0x15900] =	vst v63  }
0x130: {  	_ =	swait.ge [sflag:s10], $0xA000  }
0x131: {  	[sflag:s10] =	ssyncset.done $0x0  }
0x132: {  	s0 =	rddreg [dreg:$0x10];
	[sflag:s10] =	ssyncadd.s32 $0xFFFF6000  }
0x133: {  	[hbm4b:s0+s2] =	stream.linear.scatter [tilespmem:s8], [sflag:$0x3], $0xA000, $0x38;
	[tilespmem:$0x15900] =	vst v63  }
0x134: {  	_ =	swait.ge [sflag:s5], $0xA000  }
0x135: {  	[sflag:s5] =	ssyncset.done $0x0  }
0x136: {  	[sflag:s5] =	ssyncadd.s32 $0xFFFF6000  }
0x137: {  	[tilespmem:s8], [sflag:$0x1] =	stream.indirect.gather [hbm4b:s3+s11], $0x80, s17, s11, $0xb8;
	[tilespmem:$0x15900] =	vst v63  }
0x138: {  	_ =	swait.ge [sflag:s9], $0xA000  }
0x139: {  	[sflag:s9] =	ssyncset.done $0x0  }
0x13a: {  	s0 =	rddreg [dreg:$0x11];
	[sflag:s9] =	ssyncadd.s32 $0xFFFF6000  }
0x13b: {  	[hbm4b:s0+s2] =	stream.linear.scatter [tilespmem:s7], [sflag:$0x4], $0xA000, $0x38;
	[tilespmem:$0x15900] =	vst v63  }
0x13c: {  	_ =	swait.ge [sflag:s6], $0xA000  }
0x13d: {  	[sflag:s6] =	ssyncset.done $0x0  }
0x13e: {  	[sflag:s6] =	ssyncadd.s32 $0xFFFF6000  }
0x13f: {  	[tilespmem:s7], [sflag:$0x2] =	stream.indirect.gather [hbm4b:s3+s11], $0x80, s16, s11, $0xb8;
	[tilespmem:$0x15900] =	vst v63  }
0x140: {  	_ =	swait.ge [sflag:s10], $0xA000  }
0x141: {  	[sflag:s10] =	ssyncset.done $0x0  }
0x142: {  	s0 =	rddreg [dreg:$0x12];
	[sflag:s10] =	ssyncadd.s32 $0xFFFF6000  }
0x143: {  	[hbm4b:s0+s2] =	stream.linear.scatter [tilespmem:s8], [sflag:$0x3], $0xA000, $0x38;
	[tilespmem:$0x15900] =	vst v63  }
0x144: {  	_ =	swait.ge [sflag:s5], $0xA000  }
0x145: {  	[sflag:s5] =	ssyncset.done $0x0  }
0x146: {  	[sflag:s5] =	ssyncadd.s32 $0xFFFF6000  }
0x147: {  	[tilespmem:s8], [sflag:$0x1] =	stream.indirect.gather [hbm4b:s3+s11], $0x80, s15, s11, $0xb8;
	[tilespmem:$0x15900] =	vst v63  }
0x148: {  	_ =	swait.ge [sflag:s9], $0xA000  }
0x149: {  	[sflag:s9] =	ssyncset.done $0x0  }
0x14a: {  	s0 =	rddreg [dreg:$0x13];
	[sflag:s9] =	ssyncadd.s32 $0xFFFF6000  }
0x14b: {  	[hbm4b:s0+s2] =	stream.linear.scatter [tilespmem:s7], [sflag:$0x4], $0xA000, $0x38;
	[tilespmem:$0x15900] =	vst v63  }
0x14c: {  	_ =	swait.ge [sflag:s6], $0xA000  }
0x14d: {  	[sflag:s6] =	ssyncset.done $0x0  }
0x14e: {  	[sflag:s6] =	ssyncadd.s32 $0xFFFF6000  }
0x14f: {  	[tilespmem:s7], [sflag:$0x2] =	stream.indirect.gather [hbm4b:s3+s11], $0x80, s14, s11, $0xb8;
	[tilespmem:$0x15900] =	vst v63  }
0x150: {  	_ =	swait.ge [sflag:s10], $0xA000  }
0x151: {  	[sflag:s10] =	ssyncset.done $0x0  }
0x152: {  	s0 =	rddreg [dreg:$0x14];
	[sflag:s10] =	ssyncadd.s32 $0xFFFF6000  }
0x153: {  	[hbm4b:s0+s2] =	stream.linear.scatter [tilespmem:s8], [sflag:$0x3], $0xA000, $0x38;
	[tilespmem:$0x15900] =	vst v63  }
0x154: {  	_ =	swait.ge [sflag:s5], $0xA000  }
0x155: {  	[sflag:s5] =	ssyncset.done $0x0  }
0x156: {  	[sflag:s5] =	ssyncadd.s32 $0xFFFF6000  }
0x157: {  	[tilespmem:s8], [sflag:$0x1] =	stream.indirect.gather [hbm4b:s3+s11], $0x80, s13, s11, $0xb8;
	[tilespmem:$0x15900] =	vst v63  }
0x158: {  	_ =	swait.ge [sflag:s9], $0xA000  }
0x159: {  	[sflag:s9] =	ssyncset.done $0x0  }
0x15a: {  	s0 =	rddreg [dreg:$0x15];
	[sflag:s9] =	ssyncadd.s32 $0xFFFF6000  }
0x15b: {  	[hbm4b:s0+s2] =	stream.linear.scatter [tilespmem:s7], [sflag:$0x4], $0xA000, $0x38;
	[tilespmem:$0x15900] =	vst v63  }
0x15c: {  	_ =	swait.ge [sflag:s6], $0xA000  }
0x15d: {  	[sflag:s6] =	ssyncset.done $0x0  }
0x15e: {  	[sflag:s6] =	ssyncadd.s32 $0xFFFF6000  }
0x15f: {  	[tilespmem:s7], [sflag:$0x2] =	stream.indirect.gather [hbm4b:s3+s11], $0x80, s12, s11, $0xb8;
	[tilespmem:$0x15900] =	vst v63  }
0x160: {  	_ =	swait.ge [sflag:s10], $0xA000  }
0x161: {  	[sflag:s10] =	ssyncset.done $0x0  }
0x162: {  	s0 =	rddreg [dreg:$0x16];
	[sflag:s10] =	ssyncadd.s32 $0xFFFF6000  }
0x163: {  	[hbm4b:s0+s2] =	stream.linear.scatter [tilespmem:s8], [sflag:$0x3], $0xA000, $0x38;
	[tilespmem:$0x15900] =	vst v63  }
0x164: {  	_ =	swait.ge [sflag:s9], $0xA000  }
0x165: {  	[sflag:s9] =	ssyncset.done $0x0  }
0x166: {  	p1 =	sne.s32 s1, $0x1;
	[sflag:s9] =	ssyncadd.s32 $0xFFFF6000  }
0x167: {  	[hbm4b:s4+s2] =	stream.linear.scatter [tilespmem:s7], [sflag:$0x4], $0xA000, $0x38;
	[tilespmem:$0x15900] =	vst v63  }
.Ltmp2:
0x168: {  	_ =	swait.ge [sflag:s5], $0xA000;
	(pc) =	sbr.rel @p1 .LBB2_2-.Ltmp2, $4  }
0x169: {  	[sflag:s5] =	ssyncset.done $0x0  }
0x16a: {  	[sflag:s5] =	ssyncadd.s32 $0xFFFF6000  }
0x16b: {  	_ =	swait.ge [sflag:s6], $0xA000  }
0x16c: {  	s1 =	sadd.s32 $0xFFFFFFFF, s1;
	s0 =	rddreg [dreg:$0x3];
	[sflag:s6] =	ssyncset.done $0x0  }
.LBB2_3:
0x16d: {  	[sflag:s6] =	ssyncadd.s32 @p0 $0xFFFF6000  }
0x16e: {  	[tilespmem:s2], [sflag:$0x5] =	stream.linear.gather [hbm4b:s0+s2], $0x1900, $0x38;
	[tilespmem:$0x15900] =	vst v63  }
0x16f: {  	_ =	swait.ge [sflag:s31], $0x1900  }
0x170: {  	[sflag:s31] =	ssyncset.done $0x0  }
0x171: {  	[sflag:s31] =	ssyncadd.s32 $0xFFFFE700  }
0x172: {  	[tilespmem:s8], [sflag:$0x1] =	stream.indirect.gather [hbm4b:s3+s11], $0x80, s2, s11, $0xb8;
	[tilespmem:$0x15900] =	vst v63  }
0x173: {  	_ = 	snop  }
0x174: {  	[tilespmem:s7], [sflag:$0x2] =	stream.indirect.gather [hbm4b:s3+s11], $0x80, s11, s11, $0xb8;
	[tilespmem:$0x15900] =	vst v63  }
0x175: {  	_ =	swait.ge [sflag:s10], $0xA000  }
0x176: {  	[sflag:s10] =	ssyncset.done $0x0  }
0x177: {  	s1 =	rddreg [dreg:$0x4];
	[sflag:s10] =	ssyncadd.s32 $0xFFFF6000  }
0x178: {  	[hbm4b:s1+s2] =	stream.linear.scatter [tilespmem:s8], [sflag:$0x3], $0xA000, $0x38;
	[tilespmem:$0x15900] =	vst v63  }
0x179: {  	_ =	swait.ge [sflag:s5], $0xA000  }
0x17a: {  	[sflag:s5] =	ssyncset.done $0x0  }
0x17b: {  	[sflag:s5] =	ssyncadd.s32 $0xFFFF6000  }
0x17c: {  	[tilespmem:s8], [sflag:$0x1] =	stream.indirect.gather [hbm4b:s3+s11], $0x80, s30, s11, $0xb8;
	[tilespmem:$0x15900] =	vst v63  }
0x17d: {  	_ =	swait.ge [sflag:s9], $0xA000  }
0x17e: {  	[sflag:s9] =	ssyncset.done $0x0  }
0x17f: {  	s30 =	rddreg [dreg:$0x5];
	[sflag:s9] =	ssyncadd.s32 $0xFFFF6000  }
0x180: {  	[hbm4b:s30+s2] =	stream.linear.scatter [tilespmem:s7], [sflag:$0x4], $0xA000, $0x38;
	[tilespmem:$0x15900] =	vst v63  }
0x181: {  	_ =	swait.ge [sflag:s6], $0xA000  }
0x182: {  	[sflag:s6] =	ssyncset.done $0x0  }
0x183: {  	[sflag:s6] =	ssyncadd.s32 $0xFFFF6000  }
0x184: {  	[tilespmem:s7], [sflag:$0x2] =	stream.indirect.gather [hbm4b:s3+s11], $0x80, s29, s11, $0xb8;
	[tilespmem:$0x15900] =	vst v63  }
0x185: {  	_ =	swait.ge [sflag:s10], $0xA000  }
0x186: {  	[sflag:s10] =	ssyncset.done $0x0  }
0x187: {  	s31 =	rddreg [dreg:$0x6];
	[sflag:s10] =	ssyncadd.s32 $0xFFFF6000  }
0x188: {  	[hbm4b:s31+s2] =	stream.linear.scatter [tilespmem:s8], [sflag:$0x3], $0xA000, $0x38;
	[tilespmem:$0x15900] =	vst v63  }
0x189: {  	_ =	swait.ge [sflag:s5], $0xA000  }
0x18a: {  	[sflag:s5] =	ssyncset.done $0x0  }
0x18b: {  	[sflag:s5] =	ssyncadd.s32 $0xFFFF6000  }
0x18c: {  	[tilespmem:s8], [sflag:$0x1] =	stream.indirect.gather [hbm4b:s3+s11], $0x80, s28, s11, $0xb8;
	[tilespmem:$0x15900] =	vst v63  }
0x18d: {  	_ =	swait.ge [sflag:s9], $0xA000  }
0x18e: {  	[sflag:s9] =	ssyncset.done $0x0  }
0x18f: {  	s1 =	rddreg [dreg:$0x7];
	[sflag:s9] =	ssyncadd.s32 $0xFFFF6000  }
0x190: {  	[hbm4b:s1+s2] =	stream.linear.scatter [tilespmem:s7], [sflag:$0x4], $0xA000, $0x38;
	[tilespmem:$0x15900] =	vst v63  }
0x191: {  	_ =	swait.ge [sflag:s6], $0xA000  }
0x192: {  	[sflag:s6] =	ssyncset.done $0x0  }
0x193: {  	[sflag:s6] =	ssyncadd.s32 $0xFFFF6000  }
0x194: {  	[tilespmem:s7], [sflag:$0x2] =	stream.indirect.gather [hbm4b:s3+s11], $0x80, s26, s11, $0xb8;
	[tilespmem:$0x15900] =	vst v63  }
0x195: {  	_ =	swait.ge [sflag:s10], $0xA000  }
0x196: {  	[sflag:s10] =	ssyncset.done $0x0  }
0x197: {  	s26 =	rddreg [dreg:$0x8];
	[sflag:s10] =	ssyncadd.s32 $0xFFFF6000  }
0x198: {  	[hbm4b:s26+s2] =	stream.linear.scatter [tilespmem:s8], [sflag:$0x3], $0xA000, $0x38;
	[tilespmem:$0x15900] =	vst v63  }
0x199: {  	_ =	swait.ge [sflag:s5], $0xA000  }
0x19a: {  	[sflag:s5] =	ssyncset.done $0x0  }
0x19b: {  	[sflag:s5] =	ssyncadd.s32 $0xFFFF6000  }
0x19c: {  	[tilespmem:s8], [sflag:$0x1] =	stream.indirect.gather [hbm4b:s3+s11], $0x80, s25, s11, $0xb8;
	[tilespmem:$0x15900] =	vst v63  }
0x19d: {  	_ =	swait.ge [sflag:s9], $0xA000  }
0x19e: {  	[sflag:s9] =	ssyncset.done $0x0  }
0x19f: {  	s28 =	rddreg [dreg:$0x9];
	[sflag:s9] =	ssyncadd.s32 $0xFFFF6000  }
0x1a0: {  	[hbm4b:s28+s2] =	stream.linear.scatter [tilespmem:s7], [sflag:$0x4], $0xA000, $0x38;
	[tilespmem:$0x15900] =	vst v63  }
0x1a1: {  	_ =	swait.ge [sflag:s6], $0xA000  }
0x1a2: {  	[sflag:s6] =	ssyncset.done $0x0  }
0x1a3: {  	[sflag:s6] =	ssyncadd.s32 $0xFFFF6000  }
0x1a4: {  	[tilespmem:s7], [sflag:$0x2] =	stream.indirect.gather [hbm4b:s3+s11], $0x80, s24, s11, $0xb8;
	[tilespmem:$0x15900] =	vst v63  }
0x1a5: {  	_ =	swait.ge [sflag:s10], $0xA000  }
0x1a6: {  	[sflag:s10] =	ssyncset.done $0x0  }
0x1a7: {  	s29 =	rddreg [dreg:$0xa];
	[sflag:s10] =	ssyncadd.s32 $0xFFFF6000  }
0x1a8: {  	[hbm4b:s29+s2] =	stream.linear.scatter [tilespmem:s8], [sflag:$0x3], $0xA000, $0x38;
	[tilespmem:$0x15900] =	vst v63  }
0x1a9: {  	_ =	swait.ge [sflag:s5], $0xA000  }
0x1aa: {  	[sflag:s5] =	ssyncset.done $0x0  }
0x1ab: {  	[sflag:s5] =	ssyncadd.s32 $0xFFFF6000  }
0x1ac: {  	[tilespmem:s8], [sflag:$0x1] =	stream.indirect.gather [hbm4b:s3+s11], $0x80, s23, s11, $0xb8;
	[tilespmem:$0x15900] =	vst v63  }
0x1ad: {  	_ =	swait.ge [sflag:s9], $0xA000  }
0x1ae: {  	[sflag:s9] =	ssyncset.done $0x0  }
0x1af: {  	s30 =	rddreg [dreg:$0xb];
	[sflag:s9] =	ssyncadd.s32 $0xFFFF6000  }
0x1b0: {  	[hbm4b:s30+s2] =	stream.linear.scatter [tilespmem:s7], [sflag:$0x4], $0xA000, $0x38;
	[tilespmem:$0x15900] =	vst v63  }
0x1b1: {  	_ =	swait.ge [sflag:s6], $0xA000  }
0x1b2: {  	[sflag:s6] =	ssyncset.done $0x0  }
0x1b3: {  	[sflag:s6] =	ssyncadd.s32 $0xFFFF6000  }
0x1b4: {  	[tilespmem:s7], [sflag:$0x2] =	stream.indirect.gather [hbm4b:s3+s11], $0x80, s22, s11, $0xb8;
	[tilespmem:$0x15900] =	vst v63  }
0x1b5: {  	_ =	swait.ge [sflag:s10], $0xA000  }
0x1b6: {  	[sflag:s10] =	ssyncset.done $0x0  }
0x1b7: {  	s31 =	rddreg [dreg:$0xc];
	[sflag:s10] =	ssyncadd.s32 $0xFFFF6000  }
0x1b8: {  	[hbm4b:s31+s2] =	stream.linear.scatter [tilespmem:s8], [sflag:$0x3], $0xA000, $0x38;
	[tilespmem:$0x15900] =	vst v63  }
0x1b9: {  	_ =	swait.ge [sflag:s5], $0xA000  }
0x1ba: {  	[sflag:s5] =	ssyncset.done $0x0  }
0x1bb: {  	[sflag:s5] =	ssyncadd.s32 $0xFFFF6000  }
0x1bc: {  	[tilespmem:s8], [sflag:$0x1] =	stream.indirect.gather [hbm4b:s3+s11], $0x80, s21, s11, $0xb8;
	[tilespmem:$0x15900] =	vst v63  }
0x1bd: {  	_ =	swait.ge [sflag:s9], $0xA000  }
0x1be: {  	[sflag:s9] =	ssyncset.done $0x0  }
0x1bf: {  	s1 =	rddreg [dreg:$0xd];
	[sflag:s9] =	ssyncadd.s32 $0xFFFF6000  }
0x1c0: {  	[hbm4b:s1+s2] =	stream.linear.scatter [tilespmem:s7], [sflag:$0x4], $0xA000, $0x38;
	[tilespmem:$0x15900] =	vst v63  }
0x1c1: {  	_ =	swait.ge [sflag:s6], $0xA000  }
0x1c2: {  	[sflag:s6] =	ssyncset.done $0x0  }
0x1c3: {  	[sflag:s6] =	ssyncadd.s32 $0xFFFF6000  }
0x1c4: {  	[tilespmem:s7], [sflag:$0x2] =	stream.indirect.gather [hbm4b:s3+s11], $0x80, s20, s11, $0xb8;
	[tilespmem:$0x15900] =	vst v63  }
0x1c5: {  	_ =	swait.ge [sflag:s10], $0xA000  }
0x1c6: {  	[sflag:s10] =	ssyncset.done $0x0  }
0x1c7: {  	s21 =	rddreg [dreg:$0xe];
	[sflag:s10] =	ssyncadd.s32 $0xFFFF6000  }
0x1c8: {  	[hbm4b:s21+s2] =	stream.linear.scatter [tilespmem:s8], [sflag:$0x3], $0xA000, $0x38;
	[tilespmem:$0x15900] =	vst v63  }
0x1c9: {  	_ =	swait.ge [sflag:s5], $0xA000  }
0x1ca: {  	[sflag:s5] =	ssyncset.done $0x0  }
0x1cb: {  	[sflag:s5] =	ssyncadd.s32 $0xFFFF6000  }
0x1cc: {  	[tilespmem:s8], [sflag:$0x1] =	stream.indirect.gather [hbm4b:s3+s11], $0x80, s19, s11, $0xb8;
	[tilespmem:$0x15900] =	vst v63  }
0x1cd: {  	_ =	swait.ge [sflag:s9], $0xA000  }
0x1ce: {  	[sflag:s9] =	ssyncset.done $0x0  }
0x1cf: {  	s22 =	rddreg [dreg:$0xf];
	[sflag:s9] =	ssyncadd.s32 $0xFFFF6000  }
0x1d0: {  	[hbm4b:s22+s2] =	stream.linear.scatter [tilespmem:s7], [sflag:$0x4], $0xA000, $0x38;
	[tilespmem:$0x15900] =	vst v63  }
0x1d1: {  	_ =	swait.ge [sflag:s6], $0xA000  }
0x1d2: {  	[sflag:s6] =	ssyncset.done $0x0  }
0x1d3: {  	[sflag:s6] =	ssyncadd.s32 $0xFFFF6000  }
0x1d4: {  	[tilespmem:s7], [sflag:$0x2] =	stream.indirect.gather [hbm4b:s3+s11], $0x80, s18, s11, $0xb8;
	[tilespmem:$0x15900] =	vst v63  }
0x1d5: {  	_ =	swait.ge [sflag:s10], $0xA000  }
0x1d6: {  	[sflag:s10] =	ssyncset.done $0x0  }
0x1d7: {  	s23 =	rddreg [dreg:$0x10];
	[sflag:s10] =	ssyncadd.s32 $0xFFFF6000  }
0x1d8: {  	[hbm4b:s23+s2] =	stream.linear.scatter [tilespmem:s8], [sflag:$0x3], $0xA000, $0x38;
	[tilespmem:$0x15900] =	vst v63  }
0x1d9: {  	_ =	swait.ge [sflag:s5], $0xA000  }
0x1da: {  	[sflag:s5] =	ssyncset.done $0x0  }
0x1db: {  	[sflag:s5] =	ssyncadd.s32 $0xFFFF6000  }
0x1dc: {  	[tilespmem:s8], [sflag:$0x1] =	stream.indirect.gather [hbm4b:s3+s11], $0x80, s17, s11, $0xb8;
	[tilespmem:$0x15900] =	vst v63  }
0x1dd: {  	_ =	swait.ge [sflag:s9], $0xA000  }
0x1de: {  	[sflag:s9] =	ssyncset.done $0x0  }
0x1df: {  	s24 =	rddreg [dreg:$0x11];
	[sflag:s9] =	ssyncadd.s32 $0xFFFF6000  }
0x1e0: {  	[hbm4b:s24+s2] =	stream.linear.scatter [tilespmem:s7], [sflag:$0x4], $0xA000, $0x38;
	[tilespmem:$0x15900] =	vst v63  }
0x1e1: {  	_ =	swait.ge [sflag:s6], $0xA000  }
0x1e2: {  	[sflag:s6] =	ssyncset.done $0x0  }
0x1e3: {  	[sflag:s6] =	ssyncadd.s32 $0xFFFF6000  }
0x1e4: {  	[tilespmem:s7], [sflag:$0x2] =	stream.indirect.gather [hbm4b:s3+s11], $0x80, s16, s11, $0xb8;
	[tilespmem:$0x15900] =	vst v63  }
0x1e5: {  	_ =	swait.ge [sflag:s10], $0xA000  }
0x1e6: {  	[sflag:s10] =	ssyncset.done $0x0  }
0x1e7: {  	s25 =	rddreg [dreg:$0x12];
	[sflag:s10] =	ssyncadd.s32 $0xFFFF6000  }
0x1e8: {  	[hbm4b:s25+s2] =	stream.linear.scatter [tilespmem:s8], [sflag:$0x3], $0xA000, $0x38;
	[tilespmem:$0x15900] =	vst v63  }
0x1e9: {  	_ =	swait.ge [sflag:s5], $0xA000  }
0x1ea: {  	[sflag:s5] =	ssyncset.done $0x0  }
0x1eb: {  	[sflag:s5] =	ssyncadd.s32 $0xFFFF6000  }
0x1ec: {  	[tilespmem:s8], [sflag:$0x1] =	stream.indirect.gather [hbm4b:s3+s11], $0x80, s15, s11, $0xb8;
	[tilespmem:$0x15900] =	vst v63  }
0x1ed: {  	_ =	swait.ge [sflag:s9], $0xA000  }
0x1ee: {  	[sflag:s9] =	ssyncset.done $0x0  }
0x1ef: {  	s26 =	rddreg [dreg:$0x13];
	[sflag:s9] =	ssyncadd.s32 $0xFFFF6000  }
0x1f0: {  	[hbm4b:s26+s2] =	stream.linear.scatter [tilespmem:s7], [sflag:$0x4], $0xA000, $0x38;
	[tilespmem:$0x15900] =	vst v63  }
0x1f1: {  	_ =	swait.ge [sflag:s6], $0xA000  }
0x1f2: {  	[sflag:s6] =	ssyncset.done $0x0  }
0x1f3: {  	[sflag:s6] =	ssyncadd.s32 $0xFFFF6000  }
0x1f4: {  	[tilespmem:s7], [sflag:$0x2] =	stream.indirect.gather [hbm4b:s3+s11], $0x80, s14, s11, $0xb8;
	[tilespmem:$0x15900] =	vst v63  }
0x1f5: {  	_ =	swait.ge [sflag:s10], $0xA000  }
0x1f6: {  	[sflag:s10] =	ssyncset.done $0x0  }
0x1f7: {  	s28 =	rddreg [dreg:$0x14];
	[sflag:s10] =	ssyncadd.s32 $0xFFFF6000  }
0x1f8: {  	[hbm4b:s28+s2] =	stream.linear.scatter [tilespmem:s8], [sflag:$0x3], $0xA000, $0x38;
	[tilespmem:$0x15900] =	vst v63  }
0x1f9: {  	_ =	swait.ge [sflag:s5], $0xA000  }
0x1fa: {  	[sflag:s5] =	ssyncset.done $0x0  }
0x1fb: {  	[sflag:s5] =	ssyncadd.s32 $0xFFFF6000  }
0x1fc: {  	[tilespmem:s8], [sflag:$0x1] =	stream.indirect.gather [hbm4b:s3+s11], $0x80, s13, s11, $0xb8;
	[tilespmem:$0x15900] =	vst v63  }
0x1fd: {  	_ =	swait.ge [sflag:s9], $0xA000  }
0x1fe: {  	[sflag:s9] =	ssyncset.done $0x0  }
0x1ff: {  	s29 =	rddreg [dreg:$0x15];
	[sflag:s9] =	ssyncadd.s32 $0xFFFF6000  }
0x200: {  	[hbm4b:s29+s2] =	stream.linear.scatter [tilespmem:s7], [sflag:$0x4], $0xA000, $0x38;
	[tilespmem:$0x15900] =	vst v63  }
0x201: {  	_ =	swait.ge [sflag:s6], $0xA000  }
0x202: {  	[sflag:s6] =	ssyncset.done $0x0  }
0x203: {  	[sflag:s6] =	ssyncadd.s32 $0xFFFF6000  }
0x204: {  	[tilespmem:s7], [sflag:$0x2] =	stream.indirect.gather [hbm4b:s3+s11], $0x80, s12, s11, $0xb8;
	[tilespmem:$0x15900] =	vst v63  }
0x205: {  	_ =	swait.ge [sflag:s10], $0xA000  }
0x206: {  	[sflag:s10] =	ssyncset.done $0x0  }
0x207: {  	s30 =	rddreg [dreg:$0x16];
	[sflag:s10] =	ssyncadd.s32 $0xFFFF6000  }
0x208: {  	[hbm4b:s30+s2] =	stream.linear.scatter [tilespmem:s8], [sflag:$0x3], $0xA000, $0x38;
	[tilespmem:$0x15900] =	vst v63  }
0x209: {  	_ =	swait.ge [sflag:s9], $0xA000  }
0x20a: {  	[sflag:s9] =	ssyncset.done $0x0  }
0x20b: {  	[sflag:s9] =	ssyncadd.s32 $0xFFFF6000  }
0x20c: {  	[hbm4b:s4+s2] =	stream.linear.scatter [tilespmem:s7], [sflag:$0x4], $0xA000, $0x38;
	[tilespmem:$0x15900] =	vst v63  }
0x20d: {  	_ =	swait.ge [sflag:s5], $0xA000  }
0x20e: {  	[sflag:s5] =	ssyncset.done $0x0  }
0x20f: {  	[sflag:s5] =	ssyncadd.s32 $0xFFFF6000  }
0x210: {  	_ =	swait.ge [sflag:s6], $0xA000  }
0x211: {  	[sflag:s6] =	ssyncset.done $0x0  }
0x212: {  	[sflag:s6] =	ssyncadd.s32 $0xFFFF6000  }
0x213: {  	_ =	sfence.sel $0x180000  }
0x214: {  	[bflag:$0x0] =	sbarrier.arrive $0xFFFF  }
0x215: {  	_ =	strace $0x90000047  }
0x216: {  	s31 =	stileid.u32;
	[bflag:$0x2] =	sbarrier.arrive $0xFFFF  }
0x217: {  	p0 =	sne.s32 s31, $0x0;
	s0 =	rddreg [dreg:$0x2]  }
0x218: {  	s0 =	sadd.s32 @!p0 $0x100000, s0  }
0x219: {  	[sflag:s0] =	ssyncadd.tile.s32 @!p0 $0x1;
	_ =	shalt  }
.Lfunc_end2:
_tile_overlayer_lowered:
.L_overlay_start_2:
0x21a: {  	(tag) =	ssettag $0x2  }
0x21b: {  	s0 =	rddreg [dreg:$0x0];
	s2 =	stileid.u32  }
0x21c: {  	s1 =	rddreg [dreg:$0x1];
	p0 =	sne.s32 s2, $0x0  }
0x21d: {  	s3 =	rddreg [dreg:$0x2];
	[bflag:$0x3] =	sbarrier.arrive $0xFFFF;
	s2 =	simm.s32 @!p0 $0x1C05  }
0x21e: {  	[timem:s3], [sflag:s2] =	dma.local @!p0 [hbm:s0], s1  }
0x21f: {  	s0 =	simm.s32 @!p0 $0x5  }
0x220: {  	_ =	swait.ge @!p0 [sflag:s0], s1  }
0x221: {  	s1 =	ssub.s32 @!p0 $0x0, s1;
	[sflag:s0] =	ssyncset.done @!p0 $0x0  }
0x222: {  	[sflag:s0] =	ssyncadd.s32 @!p0 s1  }
0x223: {  	[bflag:$0x3] =	sbarrier.arrive $0xFFFF  }
0x224: {  	_ =	shalt  }

</sc_bundles>
